<compile_context>
chip_gen: v7x
topology: tpu7x:2x2x1
jax: 0.10.2.dev20260603
libtpu: 0.0.44.dev20260713+nightly
codegen_flags: <defaults>
</compile_context>

<pallas_src>
import functools

import jax
import jax.numpy as jnp
from jax import lax
from jax.experimental import pallas as pl
from jax.experimental.pallas import tpu as pltpu
from jax.experimental.pallas import tpu_sc as plsc

B = 1024
M = 10
S = 20
H = 224
W = 224
HW = H * W
NHID = 100
NOUT = 10
SB = S * B
NROW = SB // 128
NW = 32
RPW = NROW // NW
XROWS = B * HW // 16


def _sample_body(piv, mux, muy, sgx, sgy, rho, G, z0, z1,
                 rowidx, loc0, loc1, flp):
    pv = piv[...]
    pmax = jnp.max(pv, axis=0, keepdims=True)
    e = jnp.exp(pv - pmax)
    logits = jnp.log(e / jnp.sum(e, axis=0, keepdims=True))

    g_all = G[...]
    bestv = logits[0, :][None, :] + g_all[:, 0, :]
    smx = jnp.broadcast_to(mux[0, :][None, :], (S, B))
    smy = jnp.broadcast_to(muy[0, :][None, :], (S, B))
    ssx = jnp.broadcast_to(sgx[0, :][None, :], (S, B))
    ssy = jnp.broadcast_to(sgy[0, :][None, :], (S, B))
    srh = jnp.broadcast_to(rho[0, :][None, :], (S, B))
    for m in range(1, M):
        sc = logits[m, :][None, :] + g_all[:, m, :]
        upd = sc > bestv
        bestv = jnp.where(upd, sc, bestv)
        smx = jnp.where(upd, mux[m, :][None, :], smx)
        smy = jnp.where(upd, muy[m, :][None, :], smy)
        ssx = jnp.where(upd, sgx[m, :][None, :], ssx)
        ssy = jnp.where(upd, sgy[m, :][None, :], ssy)
        srh = jnp.where(upd, rho[m, :][None, :], srh)

    sx = jnp.exp(ssx)
    sy = jnp.exp(ssy)
    r = jnp.tanh(srh)
    c01 = r * sx * sy
    l00 = jnp.sqrt(sx * sx)
    l10 = c01 / l00
    l11 = jnp.sqrt(sy * sy - l10 * l10)
    za = z0[...]
    zb = z1[...]
    xs0 = smx + l00 * za
    xs1 = smy + (l10 * za + l11 * zb)
    d0 = xs0 - smx
    d1 = xs1 - smy
    y0 = d0 / l00
    y1 = (d1 - l10 * y0) / l11
    logprob = (-0.5 * (y0 * y0 + y1 * y1) - jnp.log(l00) - jnp.log(l11)
               - jnp.log(2.0 * jnp.pi))
    lc0 = jnp.tanh(xs0)
    lc1 = jnp.tanh(xs1)
    den0 = (0.5 * ((lc0 + 1.0) * H) - 0.1).astype(jnp.int32)
    den1 = (0.5 * ((lc1 + 1.0) * W) - 0.1).astype(jnp.int32)
    bb = lax.broadcasted_iota(jnp.int32, (S, B), 1)
    rowidx[...] = bb * HW + den0 * W + den1
    loc0[...] = lc0
    loc1[...] = lc1
    flp[...] = jnp.sum(logprob, axis=0, keepdims=True)


_sample_call = pl.pallas_call(
    _sample_body,
    out_shape=[
        jax.ShapeDtypeStruct((S, B), jnp.int32),
        jax.ShapeDtypeStruct((S, B), jnp.float32),
        jax.ShapeDtypeStruct((S, B), jnp.float32),
        jax.ShapeDtypeStruct((1, B), jnp.float32),
    ],
)


def _head_body(pix, l0, l1, gc1_w, gc1_b, gc2_w, gc2_b, fcf3, fcf_b, o_ref):
    ps = jnp.sum(pix[...], axis=1)
    s0 = jnp.sum(l0[...], axis=1)
    s1 = jnp.sum(l1[...], axis=1)
    w1 = gc1_w[...]
    h = (ps[:, None] * w1[0, :][None, :] + s0[:, None] * w1[1, :][None, :]
         + s1[:, None] * w1[2, :][None, :] + gc1_b[...])
    h = jnp.maximum(h, 0.0)
    h2 = 20.0 * jnp.dot(h, gc2_w[...], preferred_element_type=jnp.float32) + gc2_b[...]
    sh = h2 - jnp.max(h2, axis=0, keepdims=True)
    g = sh - jnp.log(jnp.sum(jnp.exp(sh), axis=0, keepdims=True))
    f3 = fcf3[...]
    wred = jnp.zeros((NOUT, NOUT), jnp.float32)
    for i in range(S):
        wred = wred + f3[:, i, :]
    ologits = lax.dot_general(g, wred, (((1,), (1,)), ((), ())),
                              preferred_element_type=jnp.float32) + fcf_b[...]
    om = jnp.max(ologits, axis=1, keepdims=True)
    oe = jnp.exp(ologits - om)
    o_ref[...] = oe / jnp.sum(oe, axis=1, keepdims=True)


_head_call = pl.pallas_call(
    _head_body,
    out_shape=jax.ShapeDtypeStruct((B, NOUT), jnp.float32),
)


def _gather_body(x_hbm, fidx_hbm, out_hbm, idx_v, pix_v, sem):
    wid = lax.axis_index("s") * 2 + lax.axis_index("c")
    pltpu.sync_copy(fidx_hbm.at[wid], idx_v)
    copies = []
    for j in range(RPW):
        copies.append(pltpu.async_copy(x_hbm.at[idx_v.at[j]], pix_v.at[j], sem))
    for c in copies:
        c.wait()
    pltpu.sync_copy(pix_v, out_hbm.at[wid])


@functools.cache
def _gather_call():
    return functools.partial(
        pl.kernel,
        mesh=plsc.VectorSubcoreMesh(core_axis_name="c", subcore_axis_name="s"),
        out_type=jax.ShapeDtypeStruct((NW, RPW, 128), jnp.float32),
        scratch_types=[
            pltpu.VMEM((RPW, 128), jnp.int32),
            pltpu.VMEM((RPW, 128), jnp.float32),
            pltpu.SemaphoreType.DMA,
        ],
    )(_gather_body)


def kernel(x, m_g_params, gc1_w, gc1_b, gc2_w, gc2_b, fcf_w, fcf_b):
    params = jnp.broadcast_to(m_g_params, (B, 6 * M))
    sp = jnp.stack(jnp.split(params, M, axis=1))
    piv = jnp.reshape(sp[:, :, 0], (B, M)).T
    mu_x = jnp.reshape(sp[:, :, 1], (B, M)).T
    mu_y = jnp.reshape(sp[:, :, 2], (B, M)).T
    sig_x = jnp.reshape(sp[:, :, 3], (B, M)).T
    sig_y = jnp.reshape(sp[:, :, 4], (B, M)).T
    rho = jnp.reshape(sp[:, :, 5], (B, M)).T

    skey = jax.random.key(1234)
    ks = jax.vmap(lambda i: jax.random.split(jax.random.fold_in(skey, i)))(jnp.arange(S))
    G = jax.vmap(lambda k: jax.random.gumbel(k, (B, M), jnp.float32))(ks[:, 0])
    Z = jax.vmap(lambda k: jax.random.normal(k, (B, 2), jnp.float32))(ks[:, 1])
    Gt = jnp.transpose(G, (0, 2, 1))
    z0 = Z[:, :, 0]
    z1 = Z[:, :, 1]

    rowidx, loc0, loc1, flp = _sample_call(
        piv, mu_x, mu_y, sig_x, sig_y, rho, Gt, z0, z1)

    pix = _gather_call()(x.reshape(B * HW), rowidx.reshape(NW, RPW, 128))

    o = _head_call(
        pix.reshape(B, S), loc0.reshape(B, S), loc1.reshape(B, S),
        gc1_w, gc1_b.reshape(1, NHID), gc2_w, gc2_b.reshape(1, NOUT),
        fcf_w.reshape(NOUT, S, NOUT), fcf_b.reshape(1, NOUT))
    return (o, flp.reshape(B))

# --- scband reference (transcript-rebuilt; emitter-appended) ---
"""Pipeline reference for scband-graph-sampler-31628139168232 (READ-ONLY COPY).

The authoritative reference and input builder live on the scoring server;
editing this copy changes nothing except your own understanding.
"""

import jax, jax.numpy as jnp
import numpy as np

B = 1024
M = 10
NUM_SAMPLE = 20
C = 1
H = 224
W = 224
NFEAT = 3
NHID = 100
NOUT = 10


def setup_inputs(seed: int = 0):
    key = jax.random.key(seed)
    ks = jax.random.split(key, 8)
    x = jax.random.normal(ks[0], (B, C, H, W), dtype=jnp.float32)
    m_g_params = jax.random.normal(ks[1], (1, 6 * M), dtype=jnp.float32)
    s1 = 1.0 / np.sqrt(NHID)
    gc1_w = jax.random.uniform(ks[2], (NFEAT, NHID), minval=-s1, maxval=s1, dtype=jnp.float32)
    gc1_b = jax.random.uniform(ks[3], (NHID,), minval=-s1, maxval=s1, dtype=jnp.float32)
    s2 = 1.0 / np.sqrt(NOUT)
    gc2_w = jax.random.uniform(ks[4], (NHID, NOUT), minval=-s2, maxval=s2, dtype=jnp.float32)
    gc2_b = jax.random.uniform(ks[5], (NOUT,), minval=-s2, maxval=s2, dtype=jnp.float32)
    sf = 1.0 / np.sqrt(NOUT * NUM_SAMPLE)
    fcf_w = jax.random.uniform(ks[6], (NOUT, NOUT * NUM_SAMPLE), minval=-sf, maxval=sf, dtype=jnp.float32)
    fcf_b = jax.random.uniform(ks[7], (NOUT,), minval=-sf, maxval=sf, dtype=jnp.float32)
    return {"x": x, "m_g_params": m_g_params, "gc1_w": gc1_w, "gc1_b": gc1_b, "gc2_w": gc2_w, "gc2_b": gc2_b, "fcf_w": fcf_w, "fcf_b": fcf_b}


def reference(x, m_g_params, gc1_w, gc1_b, gc2_w, gc2_b, fcf_w, fcf_b):
    params = jnp.broadcast_to(m_g_params, (B, 6 * M))
    sp = jnp.stack(jnp.split(params, M, axis=1))  # [M, B, 6]
    pi = jax.nn.softmax(jnp.reshape(sp[:, :, 0], (B, M)), axis=-1)
    mu_x = jnp.reshape(sp[:, :, 1], (B, M))
    mu_y = jnp.reshape(sp[:, :, 2], (B, M))
    sig_x = jnp.reshape(sp[:, :, 3], (B, M))
    sig_y = jnp.reshape(sp[:, :, 4], (B, M))
    rho = jnp.reshape(sp[:, :, 5], (B, M))
    logits = jnp.log(pi)
    skey = jax.random.key(1234)
    barange = jnp.arange(B)
    samples = []
    full_log_prob = jnp.zeros((B,), jnp.float32)
    for i in range(NUM_SAMPLE):
        k1, k2 = jax.random.split(jax.random.fold_in(skey, i))
        pi_idx = jax.random.categorical(k1, logits, axis=-1)[:, None]
        mx = jnp.take_along_axis(mu_x, pi_idx, axis=1)[:, 0]
        my = jnp.take_along_axis(mu_y, pi_idx, axis=1)[:, 0]
        sx = jnp.exp(jnp.take_along_axis(sig_x, pi_idx, axis=1))[:, 0]
        sy = jnp.exp(jnp.take_along_axis(sig_y, pi_idx, axis=1))[:, 0]
        r = jnp.tanh(jnp.take_along_axis(rho, pi_idx, axis=1))[:, 0]
        mean = jnp.stack([mx, my], axis=-1)
        c01 = r * sx * sy
        cov = jnp.stack([jnp.stack([sx * sx, c01], axis=-1), jnp.stack([c01, sy * sy], axis=-1)], axis=-1)
        L = jnp.linalg.cholesky(cov)
        z = jax.random.normal(k2, (B, 2), dtype=jnp.float32)
        xs = jax.lax.stop_gradient(mean + jnp.einsum('bij,bj->bi', L, z))
        d = xs - mean
        y0 = d[:, 0] / L[:, 0, 0]
        y1 = (d[:, 1] - L[:, 1, 0] * y0) / L[:, 1, 1]
        logprob = -0.5 * (y0 * y0 + y1 * y1) - jnp.log(L[:, 0, 0]) - jnp.log(L[:, 1, 1]) - jnp.log(2.0 * jnp.pi)
        loc = jnp.tanh(xs)
        denorm = (0.5 * ((loc + 1.0) * H) - 0.1).astype(jnp.int32)
        pixel = x[barange, :, denorm[:, 0], denorm[:, 1]]  # [B, C] gather
        samples.append(jnp.concatenate([pixel, loc], axis=1))
        full_log_prob = full_log_prob + logprob
    out = jnp.stack(samples)  # [S, B, C+2]
    feat = jnp.reshape(out, (B, NUM_SAMPLE, NFEAT))
    adj = jnp.ones((NUM_SAMPLE, NUM_SAMPLE), jnp.float32)
    h = jnp.matmul(adj, jnp.matmul(feat, gc1_w)) + gc1_b
    h = jax.nn.relu(h)
    h = jnp.matmul(adj, jnp.matmul(h, gc2_w)) + gc2_b
    g = jax.nn.log_softmax(h, axis=0)  # torch F.log_softmax default dim for 3D input is 0
    g = jnp.reshape(g, (B, NOUT * NUM_SAMPLE))
    o = jax.nn.softmax(g @ fcf_w.T + fcf_b, axis=-1)
    return (o, full_log_prob)

if __name__ == "__main__":
    import jax
    _d = setup_inputs()
    print(jax.jit(kernel)(*tuple(_d.values())))

</pallas_src>

<mosaic_0001>
#map = affine_map<(d0, d1) -> (0)>
#map1 = affine_map<(d0, d1) -> (0, 0, 0)>
module attributes {stable_mosaic.version = 14 : i64} {
  func.func @_gather_body(%arg0: i32, %arg1: i32, %arg2: memref<51380224xf32, #tpu.memory_space<hbm>>, %arg3: memref<32x5x128xi32, #tpu.memory_space<hbm>>, %arg4: memref<32x5x128xf32, #tpu.memory_space<hbm>>, %arg5: memref<5x128xi32, #tpu.memory_space<vmem>>, %arg6: memref<5x128xf32, #tpu.memory_space<vmem>>, %arg7: memref<!tpu.dma_semaphore, #tpu.memory_space<semaphore_mem>>) attributes {dimension_semantics = [#tpu.dimension_semantics<core_parallel>, #tpu.dimension_semantics<subcore_parallel>], iteration_bounds = array<i64: 2, 16>, scalar_prefetch = 0 : i64, scratch_operands = 3 : i64, tpu.core_type = #tpu.core_type<sc_vector_subcore>, window_params = [{transform_indices = #map}, {transform_indices = #map1}, {transform_indices = #map1}]} {
    %mul3A = arith.constant 2 : i32
    %mul3A_0 = arith.muli %arg1, %mul3A : i32
    %add3A = arith.addi %mul3A_0, %arg0 : i32
    "tpu.region"() ({
      %run_scoped3A = tpu.sem_alloc : memref<!tpu.dma_semaphore, #tpu.memory_space<semaphore_mem>>
      %dma_start3A_99 = arith.constant 0 : i32
      %dma_start3A_100 = arith.constant 0 : i32
      %dma_start3A_101 = tpu.memref_slice %arg3[%add3A, %dma_start3A_99, %dma_start3A_100] : memref<32x5x128xi32, #tpu.memory_space<hbm>> -> memref<1x5x128xi32, #tpu.memory_space<hbm>>
      %dma_start3A_102 = tpu.memref_squeeze %dma_start3A_101 : memref<1x5x128xi32, #tpu.memory_space<hbm>> -> memref<5x128xi32, #tpu.memory_space<hbm>>
      %dma_start3A_103 = arith.constant 0 : i32
      %dma_start3A_104 = arith.constant 0 : i32
      %dma_start3A_105 = tpu.memref_slice %arg3[%add3A, %dma_start3A_103, %dma_start3A_104] : memref<32x5x128xi32, #tpu.memory_space<hbm>> -> memref<1x5x128xi32, #tpu.memory_space<hbm>>
      %dma_start3A_106 = tpu.memref_squeeze %dma_start3A_105 : memref<1x5x128xi32, #tpu.memory_space<hbm>> -> memref<5x128xi32, #tpu.memory_space<hbm>>
      tpu.enqueue_dma source(%dma_start3A_106 : memref<5x128xi32, #tpu.memory_space<hbm>>) target(%arg5 : memref<5x128xi32, #tpu.memory_space<vmem>>) target_semaphore(%run_scoped3A : memref<!tpu.dma_semaphore, #tpu.memory_space<semaphore_mem>>)
      %dma_wait3A_107 = arith.constant 0 : i32
      %dma_wait3A_108 = arith.constant 0 : i32
      %dma_wait3A_109 = tpu.memref_slice %arg3[%add3A, %dma_wait3A_107, %dma_wait3A_108] : memref<32x5x128xi32, #tpu.memory_space<hbm>> -> memref<1x5x128xi32, #tpu.memory_space<hbm>>
      %dma_wait3A_110 = tpu.memref_squeeze %dma_wait3A_109 : memref<1x5x128xi32, #tpu.memory_space<hbm>> -> memref<5x128xi32, #tpu.memory_space<hbm>>
      %dma_wait3A_111 = arith.constant 0 : i32
      %dma_wait3A_112 = arith.constant 0 : i32
      %dma_wait3A_113 = tpu.memref_slice %arg3[%add3A, %dma_wait3A_111, %dma_wait3A_112] : memref<32x5x128xi32, #tpu.memory_space<hbm>> -> memref<1x5x128xi32, #tpu.memory_space<hbm>>
      %dma_wait3A_114 = tpu.memref_squeeze %dma_wait3A_113 : memref<1x5x128xi32, #tpu.memory_space<hbm>> -> memref<5x128xi32, #tpu.memory_space<hbm>>
      tpu.wait_dma2 semaphore(%run_scoped3A : memref<!tpu.dma_semaphore, #tpu.memory_space<semaphore_mem>>) src(%dma_wait3A_114 : memref<5x128xi32, #tpu.memory_space<hbm>>) dst(%arg5 : memref<5x128xi32, #tpu.memory_space<vmem>>)
      tpu.yield
    }) : () -> ()
    %dma_start3A = arith.constant 0 : i32
    %dma_start3A_1 = arith.constant 0 : i32
    %dma_start3A_2 = arith.constant 0 : i32
    %dma_start3A_3 = tpu.memref_slice %arg6[%dma_start3A_1, %dma_start3A_2] : memref<5x128xf32, #tpu.memory_space<vmem>> -> memref<1x128xf32, #tpu.memory_space<vmem>>
    %dma_start3A_4 = tpu.memref_squeeze %dma_start3A_3 : memref<1x128xf32, #tpu.memory_space<vmem>> -> memref<128xf32, #tpu.memory_space<vmem>>
    %dma_start3A_5 = arith.constant 0 : i32
    %dma_start3A_6 = tpu.memref_slice %arg5[%dma_start3A, %dma_start3A_5] : memref<5x128xi32, #tpu.memory_space<vmem>> -> memref<1x128xi32, #tpu.memory_space<vmem>>
    %dma_start3A_7 = tpu.memref_squeeze %dma_start3A_6 : memref<1x128xi32, #tpu.memory_space<vmem>> -> memref<128xi32, #tpu.memory_space<vmem>>
    %dma_start3A_8 = arith.constant 0 : i32
    %dma_start3A_9 = tpu.memref_slice %arg2[%dma_start3A_8] : memref<51380224xf32, #tpu.memory_space<hbm>> -> memref<51380224xf32, #tpu.memory_space<hbm>>
    tpu.enqueue_indirect_dma source(%dma_start3A_9 : memref<51380224xf32, #tpu.memory_space<hbm>>) target(%dma_start3A_4 : memref<128xf32, #tpu.memory_space<vmem>>) offsets(%dma_start3A_7 : memref<128xi32, #tpu.memory_space<vmem>>) semaphore(%arg7 : memref<!tpu.dma_semaphore, #tpu.memory_space<semaphore_mem>>)
    %dma_start3A_10 = arith.constant 1 : i32
    %dma_start3A_11 = arith.constant 1 : i32
    %dma_start3A_12 = arith.constant 0 : i32
    %dma_start3A_13 = tpu.memref_slice %arg6[%dma_start3A_11, %dma_start3A_12] : memref<5x128xf32, #tpu.memory_space<vmem>> -> memref<1x128xf32, #tpu.memory_space<vmem>>
    %dma_start3A_14 = tpu.memref_squeeze %dma_start3A_13 : memref<1x128xf32, #tpu.memory_space<vmem>> -> memref<128xf32, #tpu.memory_space<vmem>>
    %dma_start3A_15 = arith.constant 0 : i32
    %dma_start3A_16 = tpu.memref_slice %arg5[%dma_start3A_10, %dma_start3A_15] : memref<5x128xi32, #tpu.memory_space<vmem>> -> memref<1x128xi32, #tpu.memory_space<vmem>>
    %dma_start3A_17 = tpu.memref_squeeze %dma_start3A_16 : memref<1x128xi32, #tpu.memory_space<vmem>> -> memref<128xi32, #tpu.memory_space<vmem>>
    %dma_start3A_18 = arith.constant 0 : i32
    %dma_start3A_19 = tpu.memref_slice %arg2[%dma_start3A_18] : memref<51380224xf32, #tpu.memory_space<hbm>> -> memref<51380224xf32, #tpu.memory_space<hbm>>
    tpu.enqueue_indirect_dma source(%dma_start3A_19 : memref<51380224xf32, #tpu.memory_space<hbm>>) target(%dma_start3A_14 : memref<128xf32, #tpu.memory_space<vmem>>) offsets(%dma_start3A_17 : memref<128xi32, #tpu.memory_space<vmem>>) semaphore(%arg7 : memref<!tpu.dma_semaphore, #tpu.memory_space<semaphore_mem>>)
    %dma_start3A_20 = arith.constant 2 : i32
    %dma_start3A_21 = arith.constant 2 : i32
    %dma_start3A_22 = arith.constant 0 : i32
    %dma_start3A_23 = tpu.memref_slice %arg6[%dma_start3A_21, %dma_start3A_22] : memref<5x128xf32, #tpu.memory_space<vmem>> -> memref<1x128xf32, #tpu.memory_space<vmem>>
    %dma_start3A_24 = tpu.memref_squeeze %dma_start3A_23 : memref<1x128xf32, #tpu.memory_space<vmem>> -> memref<128xf32, #tpu.memory_space<vmem>>
    %dma_start3A_25 = arith.constant 0 : i32
    %dma_start3A_26 = tpu.memref_slice %arg5[%dma_start3A_20, %dma_start3A_25] : memref<5x128xi32, #tpu.memory_space<vmem>> -> memref<1x128xi32, #tpu.memory_space<vmem>>
    %dma_start3A_27 = tpu.memref_squeeze %dma_start3A_26 : memref<1x128xi32, #tpu.memory_space<vmem>> -> memref<128xi32, #tpu.memory_space<vmem>>
    %dma_start3A_28 = arith.constant 0 : i32
    %dma_start3A_29 = tpu.memref_slice %arg2[%dma_start3A_28] : memref<51380224xf32, #tpu.memory_space<hbm>> -> memref<51380224xf32, #tpu.memory_space<hbm>>
    tpu.enqueue_indirect_dma source(%dma_start3A_29 : memref<51380224xf32, #tpu.memory_space<hbm>>) target(%dma_start3A_24 : memref<128xf32, #tpu.memory_space<vmem>>) offsets(%dma_start3A_27 : memref<128xi32, #tpu.memory_space<vmem>>) semaphore(%arg7 : memref<!tpu.dma_semaphore, #tpu.memory_space<semaphore_mem>>)
    %dma_start3A_30 = arith.constant 3 : i32
    %dma_start3A_31 = arith.constant 3 : i32
    %dma_start3A_32 = arith.constant 0 : i32
    %dma_start3A_33 = tpu.memref_slice %arg6[%dma_start3A_31, %dma_start3A_32] : memref<5x128xf32, #tpu.memory_space<vmem>> -> memref<1x128xf32, #tpu.memory_space<vmem>>
    %dma_start3A_34 = tpu.memref_squeeze %dma_start3A_33 : memref<1x128xf32, #tpu.memory_space<vmem>> -> memref<128xf32, #tpu.memory_space<vmem>>
    %dma_start3A_35 = arith.constant 0 : i32
    %dma_start3A_36 = tpu.memref_slice %arg5[%dma_start3A_30, %dma_start3A_35] : memref<5x128xi32, #tpu.memory_space<vmem>> -> memref<1x128xi32, #tpu.memory_space<vmem>>
    %dma_start3A_37 = tpu.memref_squeeze %dma_start3A_36 : memref<1x128xi32, #tpu.memory_space<vmem>> -> memref<128xi32, #tpu.memory_space<vmem>>
    %dma_start3A_38 = arith.constant 0 : i32
    %dma_start3A_39 = tpu.memref_slice %arg2[%dma_start3A_38] : memref<51380224xf32, #tpu.memory_space<hbm>> -> memref<51380224xf32, #tpu.memory_space<hbm>>
    tpu.enqueue_indirect_dma source(%dma_start3A_39 : memref<51380224xf32, #tpu.memory_space<hbm>>) target(%dma_start3A_34 : memref<128xf32, #tpu.memory_space<vmem>>) offsets(%dma_start3A_37 : memref<128xi32, #tpu.memory_space<vmem>>) semaphore(%arg7 : memref<!tpu.dma_semaphore, #tpu.memory_space<semaphore_mem>>)
    %dma_start3A_40 = arith.constant 4 : i32
    %dma_start3A_41 = arith.constant 4 : i32
    %dma_start3A_42 = arith.constant 0 : i32
    %dma_start3A_43 = tpu.memref_slice %arg6[%dma_start3A_41, %dma_start3A_42] : memref<5x128xf32, #tpu.memory_space<vmem>> -> memref<1x128xf32, #tpu.memory_space<vmem>>
    %dma_start3A_44 = tpu.memref_squeeze %dma_start3A_43 : memref<1x128xf32, #tpu.memory_space<vmem>> -> memref<128xf32, #tpu.memory_space<vmem>>
    %dma_start3A_45 = arith.constant 0 : i32
    %dma_start3A_46 = tpu.memref_slice %arg5[%dma_start3A_40, %dma_start3A_45] : memref<5x128xi32, #tpu.memory_space<vmem>> -> memref<1x128xi32, #tpu.memory_space<vmem>>
    %dma_start3A_47 = tpu.memref_squeeze %dma_start3A_46 : memref<1x128xi32, #tpu.memory_space<vmem>> -> memref<128xi32, #tpu.memory_space<vmem>>
    %dma_start3A_48 = arith.constant 0 : i32
    %dma_start3A_49 = tpu.memref_slice %arg2[%dma_start3A_48] : memref<51380224xf32, #tpu.memory_space<hbm>> -> memref<51380224xf32, #tpu.memory_space<hbm>>
    tpu.enqueue_indirect_dma source(%dma_start3A_49 : memref<51380224xf32, #tpu.memory_space<hbm>>) target(%dma_start3A_44 : memref<128xf32, #tpu.memory_space<vmem>>) offsets(%dma_start3A_47 : memref<128xi32, #tpu.memory_space<vmem>>) semaphore(%arg7 : memref<!tpu.dma_semaphore, #tpu.memory_space<semaphore_mem>>)
    %dma_wait3A = arith.constant 0 : i32
    %dma_wait3A_50 = arith.constant 0 : i32
    %dma_wait3A_51 = arith.constant 0 : i32
    %dma_wait3A_52 = tpu.memref_slice %arg6[%dma_wait3A_50, %dma_wait3A_51] : memref<5x128xf32, #tpu.memory_space<vmem>> -> memref<1x128xf32, #tpu.memory_space<vmem>>
    %dma_wait3A_53 = tpu.memref_squeeze %dma_wait3A_52 : memref<1x128xf32, #tpu.memory_space<vmem>> -> memref<128xf32, #tpu.memory_space<vmem>>
    %dma_wait3A_54 = arith.constant 0 : i32
    %dma_wait3A_55 = tpu.memref_slice %arg5[%dma_wait3A, %dma_wait3A_54] : memref<5x128xi32, #tpu.memory_space<vmem>> -> memref<1x128xi32, #tpu.memory_space<vmem>>
    %dma_wait3A_56 = tpu.memref_squeeze %dma_wait3A_55 : memref<1x128xi32, #tpu.memory_space<vmem>> -> memref<128xi32, #tpu.memory_space<vmem>>
    %dma_wait3A_57 = arith.constant 0 : i32
    %dma_wait3A_58 = tpu.memref_slice %arg2[%dma_wait3A_57] : memref<51380224xf32, #tpu.memory_space<hbm>> -> memref<51380224xf32, #tpu.memory_space<hbm>>
    tpu.wait_indirect_dma semaphore(%arg7 : memref<!tpu.dma_semaphore, #tpu.memory_space<semaphore_mem>>) src(%dma_wait3A_58 : memref<51380224xf32, #tpu.memory_space<hbm>>) dst(%dma_wait3A_53 : memref<128xf32, #tpu.memory_space<vmem>>)
    %dma_wait3A_59 = arith.constant 1 : i32
    %dma_wait3A_60 = arith.constant 1 : i32
    %dma_wait3A_61 = arith.constant 0 : i32
    %dma_wait3A_62 = tpu.memref_slice %arg6[%dma_wait3A_60, %dma_wait3A_61] : memref<5x128xf32, #tpu.memory_space<vmem>> -> memref<1x128xf32, #tpu.memory_space<vmem>>
    %dma_wait3A_63 = tpu.memref_squeeze %dma_wait3A_62 : memref<1x128xf32, #tpu.memory_space<vmem>> -> memref<128xf32, #tpu.memory_space<vmem>>
    %dma_wait3A_64 = arith.constant 0 : i32
    %dma_wait3A_65 = tpu.memref_slice %arg5[%dma_wait3A_59, %dma_wait3A_64] : memref<5x128xi32, #tpu.memory_space<vmem>> -> memref<1x128xi32, #tpu.memory_space<vmem>>
    %dma_wait3A_66 = tpu.memref_squeeze %dma_wait3A_65 : memref<1x128xi32, #tpu.memory_space<vmem>> -> memref<128xi32, #tpu.memory_space<vmem>>
    %dma_wait3A_67 = arith.constant 0 : i32
    %dma_wait3A_68 = tpu.memref_slice %arg2[%dma_wait3A_67] : memref<51380224xf32, #tpu.memory_space<hbm>> -> memref<51380224xf32, #tpu.memory_space<hbm>>
    tpu.wait_indirect_dma semaphore(%arg7 : memref<!tpu.dma_semaphore, #tpu.memory_space<semaphore_mem>>) src(%dma_wait3A_68 : memref<51380224xf32, #tpu.memory_space<hbm>>) dst(%dma_wait3A_63 : memref<128xf32, #tpu.memory_space<vmem>>)
    %dma_wait3A_69 = arith.constant 2 : i32
    %dma_wait3A_70 = arith.constant 2 : i32
    %dma_wait3A_71 = arith.constant 0 : i32
    %dma_wait3A_72 = tpu.memref_slice %arg6[%dma_wait3A_70, %dma_wait3A_71] : memref<5x128xf32, #tpu.memory_space<vmem>> -> memref<1x128xf32, #tpu.memory_space<vmem>>
    %dma_wait3A_73 = tpu.memref_squeeze %dma_wait3A_72 : memref<1x128xf32, #tpu.memory_space<vmem>> -> memref<128xf32, #tpu.memory_space<vmem>>
    %dma_wait3A_74 = arith.constant 0 : i32
    %dma_wait3A_75 = tpu.memref_slice %arg5[%dma_wait3A_69, %dma_wait3A_74] : memref<5x128xi32, #tpu.memory_space<vmem>> -> memref<1x128xi32, #tpu.memory_space<vmem>>
    %dma_wait3A_76 = tpu.memref_squeeze %dma_wait3A_75 : memref<1x128xi32, #tpu.memory_space<vmem>> -> memref<128xi32, #tpu.memory_space<vmem>>
    %dma_wait3A_77 = arith.constant 0 : i32
    %dma_wait3A_78 = tpu.memref_slice %arg2[%dma_wait3A_77] : memref<51380224xf32, #tpu.memory_space<hbm>> -> memref<51380224xf32, #tpu.memory_space<hbm>>
    tpu.wait_indirect_dma semaphore(%arg7 : memref<!tpu.dma_semaphore, #tpu.memory_space<semaphore_mem>>) src(%dma_wait3A_78 : memref<51380224xf32, #tpu.memory_space<hbm>>) dst(%dma_wait3A_73 : memref<128xf32, #tpu.memory_space<vmem>>)
    %dma_wait3A_79 = arith.constant 3 : i32
    %dma_wait3A_80 = arith.constant 3 : i32
    %dma_wait3A_81 = arith.constant 0 : i32
    %dma_wait3A_82 = tpu.memref_slice %arg6[%dma_wait3A_80, %dma_wait3A_81] : memref<5x128xf32, #tpu.memory_space<vmem>> -> memref<1x128xf32, #tpu.memory_space<vmem>>
    %dma_wait3A_83 = tpu.memref_squeeze %dma_wait3A_82 : memref<1x128xf32, #tpu.memory_space<vmem>> -> memref<128xf32, #tpu.memory_space<vmem>>
    %dma_wait3A_84 = arith.constant 0 : i32
    %dma_wait3A_85 = tpu.memref_slice %arg5[%dma_wait3A_79, %dma_wait3A_84] : memref<5x128xi32, #tpu.memory_space<vmem>> -> memref<1x128xi32, #tpu.memory_space<vmem>>
    %dma_wait3A_86 = tpu.memref_squeeze %dma_wait3A_85 : memref<1x128xi32, #tpu.memory_space<vmem>> -> memref<128xi32, #tpu.memory_space<vmem>>
    %dma_wait3A_87 = arith.constant 0 : i32
    %dma_wait3A_88 = tpu.memref_slice %arg2[%dma_wait3A_87] : memref<51380224xf32, #tpu.memory_space<hbm>> -> memref<51380224xf32, #tpu.memory_space<hbm>>
    tpu.wait_indirect_dma semaphore(%arg7 : memref<!tpu.dma_semaphore, #tpu.memory_space<semaphore_mem>>) src(%dma_wait3A_88 : memref<51380224xf32, #tpu.memory_space<hbm>>) dst(%dma_wait3A_83 : memref<128xf32, #tpu.memory_space<vmem>>)
    %dma_wait3A_89 = arith.constant 4 : i32
    %dma_wait3A_90 = arith.constant 4 : i32
    %dma_wait3A_91 = arith.constant 0 : i32
    %dma_wait3A_92 = tpu.memref_slice %arg6[%dma_wait3A_90, %dma_wait3A_91] : memref<5x128xf32, #tpu.memory_space<vmem>> -> memref<1x128xf32, #tpu.memory_space<vmem>>
    %dma_wait3A_93 = tpu.memref_squeeze %dma_wait3A_92 : memref<1x128xf32, #tpu.memory_space<vmem>> -> memref<128xf32, #tpu.memory_space<vmem>>
    %dma_wait3A_94 = arith.constant 0 : i32
    %dma_wait3A_95 = tpu.memref_slice %arg5[%dma_wait3A_89, %dma_wait3A_94] : memref<5x128xi32, #tpu.memory_space<vmem>> -> memref<1x128xi32, #tpu.memory_space<vmem>>
    %dma_wait3A_96 = tpu.memref_squeeze %dma_wait3A_95 : memref<1x128xi32, #tpu.memory_space<vmem>> -> memref<128xi32, #tpu.memory_space<vmem>>
    %dma_wait3A_97 = arith.constant 0 : i32
    %dma_wait3A_98 = tpu.memref_slice %arg2[%dma_wait3A_97] : memref<51380224xf32, #tpu.memory_space<hbm>> -> memref<51380224xf32, #tpu.memory_space<hbm>>
    tpu.wait_indirect_dma semaphore(%arg7 : memref<!tpu.dma_semaphore, #tpu.memory_space<semaphore_mem>>) src(%dma_wait3A_98 : memref<51380224xf32, #tpu.memory_space<hbm>>) dst(%dma_wait3A_93 : memref<128xf32, #tpu.memory_space<vmem>>)
    "tpu.region"() ({
      %run_scoped3A = tpu.sem_alloc : memref<!tpu.dma_semaphore, #tpu.memory_space<semaphore_mem>>
      %dma_start3A_99 = arith.constant 0 : i32
      %dma_start3A_100 = arith.constant 0 : i32
      %dma_start3A_101 = tpu.memref_slice %arg4[%add3A, %dma_start3A_99, %dma_start3A_100] : memref<32x5x128xf32, #tpu.memory_space<hbm>> -> memref<1x5x128xf32, #tpu.memory_space<hbm>>
      %dma_start3A_102 = tpu.memref_squeeze %dma_start3A_101 : memref<1x5x128xf32, #tpu.memory_space<hbm>> -> memref<5x128xf32, #tpu.memory_space<hbm>>
      %dma_start3A_103 = arith.constant 0 : i32
      %dma_start3A_104 = arith.constant 0 : i32
      %dma_start3A_105 = tpu.memref_slice %arg4[%add3A, %dma_start3A_103, %dma_start3A_104] : memref<32x5x128xf32, #tpu.memory_space<hbm>> -> memref<1x5x128xf32, #tpu.memory_space<hbm>>
      %dma_start3A_106 = tpu.memref_squeeze %dma_start3A_105 : memref<1x5x128xf32, #tpu.memory_space<hbm>> -> memref<5x128xf32, #tpu.memory_space<hbm>>
      tpu.enqueue_dma source(%arg6 : memref<5x128xf32, #tpu.memory_space<vmem>>) target(%dma_start3A_106 : memref<5x128xf32, #tpu.memory_space<hbm>>) target_semaphore(%run_scoped3A : memref<!tpu.dma_semaphore, #tpu.memory_space<semaphore_mem>>)
      %dma_wait3A_107 = arith.constant 0 : i32
      %dma_wait3A_108 = arith.constant 0 : i32
      %dma_wait3A_109 = tpu.memref_slice %arg4[%add3A, %dma_wait3A_107, %dma_wait3A_108] : memref<32x5x128xf32, #tpu.memory_space<hbm>> -> memref<1x5x128xf32, #tpu.memory_space<hbm>>
      %dma_wait3A_110 = tpu.memref_squeeze %dma_wait3A_109 : memref<1x5x128xf32, #tpu.memory_space<hbm>> -> memref<5x128xf32, #tpu.memory_space<hbm>>
      %dma_wait3A_111 = arith.constant 0 : i32
      %dma_wait3A_112 = arith.constant 0 : i32
      %dma_wait3A_113 = tpu.memref_slice %arg4[%add3A, %dma_wait3A_111, %dma_wait3A_112] : memref<32x5x128xf32, #tpu.memory_space<hbm>> -> memref<1x5x128xf32, #tpu.memory_space<hbm>>
      %dma_wait3A_114 = tpu.memref_squeeze %dma_wait3A_113 : memref<1x5x128xf32, #tpu.memory_space<hbm>> -> memref<5x128xf32, #tpu.memory_space<hbm>>
      tpu.wait_dma2 semaphore(%run_scoped3A : memref<!tpu.dma_semaphore, #tpu.memory_space<semaphore_mem>>) src(%arg6 : memref<5x128xf32, #tpu.memory_space<vmem>>) dst(%dma_wait3A_114 : memref<5x128xf32, #tpu.memory_space<hbm>>)
      tpu.yield
    }) : () -> ()
    return
  }
}

module attributes {stable_mosaic.version = 14 : i64} {
  func.func @_sample_body(%arg0: memref<10x1024xf32, #tpu.memory_space<vmem>>, %arg1: memref<10x1024xf32, #tpu.memory_space<vmem>>, %arg2: memref<10x1024xf32, #tpu.memory_space<vmem>>, %arg3: memref<10x1024xf32, #tpu.memory_space<vmem>>, %arg4: memref<10x1024xf32, #tpu.memory_space<vmem>>, %arg5: memref<10x1024xf32, #tpu.memory_space<vmem>>, %arg6: memref<20x10x1024xf32, #tpu.memory_space<vmem>>, %arg7: memref<20x1024xf32, #tpu.memory_space<vmem>>, %arg8: memref<20x1024xf32, #tpu.memory_space<vmem>>, %arg9: memref<20x1024xi32, #tpu.memory_space<vmem>>, %arg10: memref<20x1024xf32, #tpu.memory_space<vmem>>, %arg11: memref<20x1024xf32, #tpu.memory_space<vmem>>, %arg12: memref<1x1024xf32, #tpu.memory_space<vmem>>) attributes {dimension_semantics = [], scalar_prefetch = 0 : i64, scratch_operands = 0 : i64, tpu.core_type = #tpu.core_type<tc>} {
    %get3A = arith.constant 0 : index
    %get3A_0 = arith.constant 0 : index
    %get3A_1 = vector.load %arg0[%get3A, %get3A_0] : memref<10x1024xf32, #tpu.memory_space<vmem>>, vector<10x1024xf32>
    %reduce_max3A = arith.constant dense<0xFF800000> : vector<1024xf32>
    %reduce_max3A_2 = vector.multi_reduction <maximumf>, %get3A_1, %reduce_max3A [0] : vector<10x1024xf32> to vector<1024xf32>
    %broadcast_in_dim3A = vector.shape_cast %reduce_max3A_2 : vector<1024xf32> to vector<1x1024xf32>
    %sub3A = vector.broadcast %broadcast_in_dim3A : vector<1x1024xf32> to vector<10x1024xf32>
    %sub3A_3 = arith.subf %get3A_1, %sub3A : vector<10x1024xf32>
    %exp3A = math.exp %sub3A_3 : vector<10x1024xf32>
    %reduce_sum3A = arith.constant dense<0.000000e+00> : vector<1024xf32>
    %reduce_sum3A_4 = vector.multi_reduction <add>, %exp3A, %reduce_sum3A [0] : vector<10x1024xf32> to vector<1024xf32>
    %broadcast_in_dim3A_5 = vector.shape_cast %reduce_sum3A_4 : vector<1024xf32> to vector<1x1024xf32>
    %div3A = vector.broadcast %broadcast_in_dim3A_5 : vector<1x1024xf32> to vector<10x1024xf32>
    %div3A_6 = arith.divf %exp3A, %div3A : vector<10x1024xf32>
    %log3A = math.log %div3A_6 : vector<10x1024xf32>
    %get3A_7 = arith.constant 0 : index
    %get3A_8 = arith.constant 0 : index
    %get3A_9 = arith.constant 0 : index
    %get3A_10 = vector.load %arg6[%get3A_7, %get3A_8, %get3A_9] : memref<20x10x1024xf32, #tpu.memory_space<vmem>>, vector<20x10x1024xf32>
    %slice3A = vector.extract_strided_slice %log3A {offsets = [0, 0], sizes = [1, 1024], strides = [1, 1]} : vector<10x1024xf32> to vector<1x1024xf32>
    %squeeze3A = vector.shape_cast %slice3A : vector<1x1024xf32> to vector<1024xf32>
    %broadcast_in_dim3A_11 = vector.shape_cast %squeeze3A : vector<1024xf32> to vector<1x1024xf32>
    %slice3A_12 = vector.extract_strided_slice %get3A_10 {offsets = [0, 0, 0], sizes = [20, 1, 1024], strides = [1, 1, 1]} : vector<20x10x1024xf32> to vector<20x1x1024xf32>
    %squeeze3A_13 = vector.shape_cast %slice3A_12 : vector<20x1x1024xf32> to vector<20x1024xf32>
    %add3A = vector.broadcast %broadcast_in_dim3A_11 : vector<1x1024xf32> to vector<20x1024xf32>
    %add3A_14 = arith.addf %add3A, %squeeze3A_13 : vector<20x1024xf32>
    %get3A_15 = arith.constant 0 : index
    %get3A_16 = arith.constant 0 : index
    %get3A_17 = vector.load %arg1[%get3A_15, %get3A_16] : memref<10x1024xf32, #tpu.memory_space<vmem>>, vector<1x1024xf32>
    %get3A_18 = vector.shape_cast %get3A_17 : vector<1x1024xf32> to vector<1024xf32>
    %broadcast_in_dim3A_19 = vector.shape_cast %get3A_18 : vector<1024xf32> to vector<1x1024xf32>
    %broadcast_in_dim3A_20 = vector.shape_cast %broadcast_in_dim3A_19 : vector<1x1024xf32> to vector<1x1024xf32>
    %broadcast_in_dim3A_21 = vector.broadcast %broadcast_in_dim3A_20 : vector<1x1024xf32> to vector<20x1024xf32>
    %get3A_22 = arith.constant 0 : index
    %get3A_23 = arith.constant 0 : index
    %get3A_24 = vector.load %arg2[%get3A_22, %get3A_23] : memref<10x1024xf32, #tpu.memory_space<vmem>>, vector<1x1024xf32>
    %get3A_25 = vector.shape_cast %get3A_24 : vector<1x1024xf32> to vector<1024xf32>
    %broadcast_in_dim3A_26 = vector.shape_cast %get3A_25 : vector<1024xf32> to vector<1x1024xf32>
    %broadcast_in_dim3A_27 = vector.shape_cast %broadcast_in_dim3A_26 : vector<1x1024xf32> to vector<1x1024xf32>
    %broadcast_in_dim3A_28 = vector.broadcast %broadcast_in_dim3A_27 : vector<1x1024xf32> to vector<20x1024xf32>
    %get3A_29 = arith.constant 0 : index
    %get3A_30 = arith.constant 0 : index
    %get3A_31 = vector.load %arg3[%get3A_29, %get3A_30] : memref<10x1024xf32, #tpu.memory_space<vmem>>, vector<1x1024xf32>
    %get3A_32 = vector.shape_cast %get3A_31 : vector<1x1024xf32> to vector<1024xf32>
    %broadcast_in_dim3A_33 = vector.shape_cast %get3A_32 : vector<1024xf32> to vector<1x1024xf32>
    %broadcast_in_dim3A_34 = vector.shape_cast %broadcast_in_dim3A_33 : vector<1x1024xf32> to vector<1x1024xf32>
    %broadcast_in_dim3A_35 = vector.broadcast %broadcast_in_dim3A_34 : vector<1x1024xf32> to vector<20x1024xf32>
    %get3A_36 = arith.constant 0 : index
    %get3A_37 = arith.constant 0 : index
    %get3A_38 = vector.load %arg4[%get3A_36, %get3A_37] : memref<10x1024xf32, #tpu.memory_space<vmem>>, vector<1x1024xf32>
    %get3A_39 = vector.shape_cast %get3A_38 : vector<1x1024xf32> to vector<1024xf32>
    %broadcast_in_dim3A_40 = vector.shape_cast %get3A_39 : vector<1024xf32> to vector<1x1024xf32>
    %broadcast_in_dim3A_41 = vector.shape_cast %broadcast_in_dim3A_40 : vector<1x1024xf32> to vector<1x1024xf32>
    %broadcast_in_dim3A_42 = vector.broadcast %broadcast_in_dim3A_41 : vector<1x1024xf32> to vector<20x1024xf32>
    %get3A_43 = arith.constant 0 : index
    %get3A_44 = arith.constant 0 : index
    %get3A_45 = vector.load %arg5[%get3A_43, %get3A_44] : memref<10x1024xf32, #tpu.memory_space<vmem>>, vector<1x1024xf32>
    %get3A_46 = vector.shape_cast %get3A_45 : vector<1x1024xf32> to vector<1024xf32>
    %broadcast_in_dim3A_47 = vector.shape_cast %get3A_46 : vector<1024xf32> to vector<1x1024xf32>
    %broadcast_in_dim3A_48 = vector.shape_cast %broadcast_in_dim3A_47 : vector<1x1024xf32> to vector<1x1024xf32>
    %broadcast_in_dim3A_49 = vector.broadcast %broadcast_in_dim3A_48 : vector<1x1024xf32> to vector<20x1024xf32>
    %slice3A_50 = vector.extract_strided_slice %log3A {offsets = [1, 0], sizes = [1, 1024], strides = [1, 1]} : vector<10x1024xf32> to vector<1x1024xf32>
    %squeeze3A_51 = vector.shape_cast %slice3A_50 : vector<1x1024xf32> to vector<1024xf32>
    %broadcast_in_dim3A_52 = vector.shape_cast %squeeze3A_51 : vector<1024xf32> to vector<1x1024xf32>
    %slice3A_53 = vector.extract_strided_slice %get3A_10 {offsets = [0, 1, 0], sizes = [20, 1, 1024], strides = [1, 1, 1]} : vector<20x10x1024xf32> to vector<20x1x1024xf32>
    %squeeze3A_54 = vector.shape_cast %slice3A_53 : vector<20x1x1024xf32> to vector<20x1024xf32>
    %add3A_55 = vector.broadcast %broadcast_in_dim3A_52 : vector<1x1024xf32> to vector<20x1024xf32>
    %add3A_56 = arith.addf %add3A_55, %squeeze3A_54 : vector<20x1024xf32>
    %gt3A = arith.cmpf ogt, %add3A_56, %add3A_14 : vector<20x1024xf32>
    %select_n3A = arith.select %gt3A, %add3A_56, %add3A_14 : vector<20x1024xi1>, vector<20x1024xf32>
    %get3A_57 = arith.constant 1 : index
    %get3A_58 = arith.constant 0 : index
    %get3A_59 = vector.load %arg1[%get3A_57, %get3A_58] : memref<10x1024xf32, #tpu.memory_space<vmem>>, vector<1x1024xf32>
    %get3A_60 = vector.shape_cast %get3A_59 : vector<1x1024xf32> to vector<1024xf32>
    %broadcast_in_dim3A_61 = vector.shape_cast %get3A_60 : vector<1024xf32> to vector<1x1024xf32>
    %broadcast_in_dim3A_62 = vector.shape_cast %broadcast_in_dim3A_61 : vector<1x1024xf32> to vector<1x1024xf32>
    %broadcast_in_dim3A_63 = vector.broadcast %broadcast_in_dim3A_62 : vector<1x1024xf32> to vector<20x1024xf32>
    %select_n3A_64 = arith.select %gt3A, %broadcast_in_dim3A_63, %broadcast_in_dim3A_21 : vector<20x1024xi1>, vector<20x1024xf32>
    %get3A_65 = arith.constant 1 : index
    %get3A_66 = arith.constant 0 : index
    %get3A_67 = vector.load %arg2[%get3A_65, %get3A_66] : memref<10x1024xf32, #tpu.memory_space<vmem>>, vector<1x1024xf32>
    %get3A_68 = vector.shape_cast %get3A_67 : vector<1x1024xf32> to vector<1024xf32>
    %broadcast_in_dim3A_69 = vector.shape_cast %get3A_68 : vector<1024xf32> to vector<1x1024xf32>
    %broadcast_in_dim3A_70 = vector.shape_cast %broadcast_in_dim3A_69 : vector<1x1024xf32> to vector<1x1024xf32>
    %broadcast_in_dim3A_71 = vector.broadcast %broadcast_in_dim3A_70 : vector<1x1024xf32> to vector<20x1024xf32>
    %select_n3A_72 = arith.select %gt3A, %broadcast_in_dim3A_71, %broadcast_in_dim3A_28 : vector<20x1024xi1>, vector<20x1024xf32>
    %get3A_73 = arith.constant 1 : index
    %get3A_74 = arith.constant 0 : index
    %get3A_75 = vector.load %arg3[%get3A_73, %get3A_74] : memref<10x1024xf32, #tpu.memory_space<vmem>>, vector<1x1024xf32>
    %get3A_76 = vector.shape_cast %get3A_75 : vector<1x1024xf32> to vector<1024xf32>
    %broadcast_in_dim3A_77 = vector.shape_cast %get3A_76 : vector<1024xf32> to vector<1x1024xf32>
    %broadcast_in_dim3A_78 = vector.shape_cast %broadcast_in_dim3A_77 : vector<1x1024xf32> to vector<1x1024xf32>
    %broadcast_in_dim3A_79 = vector.broadcast %broadcast_in_dim3A_78 : vector<1x1024xf32> to vector<20x1024xf32>
    %select_n3A_80 = arith.select %gt3A, %broadcast_in_dim3A_79, %broadcast_in_dim3A_35 : vector<20x1024xi1>, vector<20x1024xf32>
    %get3A_81 = arith.constant 1 : index
    %get3A_82 = arith.constant 0 : index
    %get3A_83 = vector.load %arg4[%get3A_81, %get3A_82] : memref<10x1024xf32, #tpu.memory_space<vmem>>, vector<1x1024xf32>
    %get3A_84 = vector.shape_cast %get3A_83 : vector<1x1024xf32> to vector<1024xf32>
    %broadcast_in_dim3A_85 = vector.shape_cast %get3A_84 : vector<1024xf32> to vector<1x1024xf32>
    %broadcast_in_dim3A_86 = vector.shape_cast %broadcast_in_dim3A_85 : vector<1x1024xf32> to vector<1x1024xf32>
    %broadcast_in_dim3A_87 = vector.broadcast %broadcast_in_dim3A_86 : vector<1x1024xf32> to vector<20x1024xf32>
    %select_n3A_88 = arith.select %gt3A, %broadcast_in_dim3A_87, %broadcast_in_dim3A_42 : vector<20x1024xi1>, vector<20x1024xf32>
    %get3A_89 = arith.constant 1 : index
    %get3A_90 = arith.constant 0 : index
    %get3A_91 = vector.load %arg5[%get3A_89, %get3A_90] : memref<10x1024xf32, #tpu.memory_space<vmem>>, vector<1x1024xf32>
    %get3A_92 = vector.shape_cast %get3A_91 : vector<1x1024xf32> to vector<1024xf32>
    %broadcast_in_dim3A_93 = vector.shape_cast %get3A_92 : vector<1024xf32> to vector<1x1024xf32>
    %broadcast_in_dim3A_94 = vector.shape_cast %broadcast_in_dim3A_93 : vector<1x1024xf32> to vector<1x1024xf32>
    %broadcast_in_dim3A_95 = vector.broadcast %broadcast_in_dim3A_94 : vector<1x1024xf32> to vector<20x1024xf32>
    %select_n3A_96 = arith.select %gt3A, %broadcast_in_dim3A_95, %broadcast_in_dim3A_49 : vector<20x1024xi1>, vector<20x1024xf32>
    %slice3A_97 = vector.extract_strided_slice %log3A {offsets = [2, 0], sizes = [1, 1024], strides = [1, 1]} : vector<10x1024xf32> to vector<1x1024xf32>
    %squeeze3A_98 = vector.shape_cast %slice3A_97 : vector<1x1024xf32> to vector<1024xf32>
    %broadcast_in_dim3A_99 = vector.shape_cast %squeeze3A_98 : vector<1024xf32> to vector<1x1024xf32>
    %slice3A_100 = vector.extract_strided_slice %get3A_10 {offsets = [0, 2, 0], sizes = [20, 1, 1024], strides = [1, 1, 1]} : vector<20x10x1024xf32> to vector<20x1x1024xf32>
    %squeeze3A_101 = vector.shape_cast %slice3A_100 : vector<20x1x1024xf32> to vector<20x1024xf32>
    %add3A_102 = vector.broadcast %broadcast_in_dim3A_99 : vector<1x1024xf32> to vector<20x1024xf32>
    %add3A_103 = arith.addf %add3A_102, %squeeze3A_101 : vector<20x1024xf32>
    %gt3A_104 = arith.cmpf ogt, %add3A_103, %select_n3A : vector<20x1024xf32>
    %select_n3A_105 = arith.select %gt3A_104, %add3A_103, %select_n3A : vector<20x1024xi1>, vector<20x1024xf32>
    %get3A_106 = arith.constant 2 : index
    %get3A_107 = arith.constant 0 : index
    %get3A_108 = vector.load %arg1[%get3A_106, %get3A_107] : memref<10x1024xf32, #tpu.memory_space<vmem>>, vector<1x1024xf32>
    %get3A_109 = vector.shape_cast %get3A_108 : vector<1x1024xf32> to vector<1024xf32>
    %broadcast_in_dim3A_110 = vector.shape_cast %get3A_109 : vector<1024xf32> to vector<1x1024xf32>
    %broadcast_in_dim3A_111 = vector.shape_cast %broadcast_in_dim3A_110 : vector<1x1024xf32> to vector<1x1024xf32>
    %broadcast_in_dim3A_112 = vector.broadcast %broadcast_in_dim3A_111 : vector<1x1024xf32> to vector<20x1024xf32>
    %select_n3A_113 = arith.select %gt3A_104, %broadcast_in_dim3A_112, %select_n3A_64 : vector<20x1024xi1>, vector<20x1024xf32>
    %get3A_114 = arith.constant 2 : index
    %get3A_115 = arith.constant 0 : index
    %get3A_116 = vector.load %arg2[%get3A_114, %get3A_115] : memref<10x1024xf32, #tpu.memory_space<vmem>>, vector<1x1024xf32>
    %get3A_117 = vector.shape_cast %get3A_116 : vector<1x1024xf32> to vector<1024xf32>
    %broadcast_in_dim3A_118 = vector.shape_cast %get3A_117 : vector<1024xf32> to vector<1x1024xf32>
    %broadcast_in_dim3A_119 = vector.shape_cast %broadcast_in_dim3A_118 : vector<1x1024xf32> to vector<1x1024xf32>
    %broadcast_in_dim3A_120 = vector.broadcast %broadcast_in_dim3A_119 : vector<1x1024xf32> to vector<20x1024xf32>
    %select_n3A_121 = arith.select %gt3A_104, %broadcast_in_dim3A_120, %select_n3A_72 : vector<20x1024xi1>, vector<20x1024xf32>
    %get3A_122 = arith.constant 2 : index
    %get3A_123 = arith.constant 0 : index
    %get3A_124 = vector.load %arg3[%get3A_122, %get3A_123] : memref<10x1024xf32, #tpu.memory_space<vmem>>, vector<1x1024xf32>
    %get3A_125 = vector.shape_cast %get3A_124 : vector<1x1024xf32> to vector<1024xf32>
    %broadcast_in_dim3A_126 = vector.shape_cast %get3A_125 : vector<1024xf32> to vector<1x1024xf32>
    %broadcast_in_dim3A_127 = vector.shape_cast %broadcast_in_dim3A_126 : vector<1x1024xf32> to vector<1x1024xf32>
    %broadcast_in_dim3A_128 = vector.broadcast %broadcast_in_dim3A_127 : vector<1x1024xf32> to vector<20x1024xf32>
    %select_n3A_129 = arith.select %gt3A_104, %broadcast_in_dim3A_128, %select_n3A_80 : vector<20x1024xi1>, vector<20x1024xf32>
    %get3A_130 = arith.constant 2 : index
    %get3A_131 = arith.constant 0 : index
    %get3A_132 = vector.load %arg4[%get3A_130, %get3A_131] : memref<10x1024xf32, #tpu.memory_space<vmem>>, vector<1x1024xf32>
    %get3A_133 = vector.shape_cast %get3A_132 : vector<1x1024xf32> to vector<1024xf32>
    %broadcast_in_dim3A_134 = vector.shape_cast %get3A_133 : vector<1024xf32> to vector<1x1024xf32>
    %broadcast_in_dim3A_135 = vector.shape_cast %broadcast_in_dim3A_134 : vector<1x1024xf32> to vector<1x1024xf32>
    %broadcast_in_dim3A_136 = vector.broadcast %broadcast_in_dim3A_135 : vector<1x1024xf32> to vector<20x1024xf32>
    %select_n3A_137 = arith.select %gt3A_104, %broadcast_in_dim3A_136, %select_n3A_88 : vector<20x1024xi1>, vector<20x1024xf32>
    %get3A_138 = arith.constant 2 : index
    %get3A_139 = arith.constant 0 : index
    %get3A_140 = vector.load %arg5[%get3A_138, %get3A_139] : memref<10x1024xf32, #tpu.memory_space<vmem>>, vector<1x1024xf32>
    %get3A_141 = vector.shape_cast %get3A_140 : vector<1x1024xf32> to vector<1024xf32>
    %broadcast_in_dim3A_142 = vector.shape_cast %get3A_141 : vector<1024xf32> to vector<1x1024xf32>
    %broadcast_in_dim3A_143 = vector.shape_cast %broadcast_in_dim3A_142 : vector<1x1024xf32> to vector<1x1024xf32>
    %broadcast_in_dim3A_144 = vector.broadcast %broadcast_in_dim3A_143 : vector<1x1024xf32> to vector<20x1024xf32>
    %select_n3A_145 = arith.select %gt3A_104, %broadcast_in_dim3A_144, %select_n3A_96 : vector<20x1024xi1>, vector<20x1024xf32>
    %slice3A_146 = vector.extract_strided_slice %log3A {offsets = [3, 0], sizes = [1, 1024], strides = [1, 1]} : vector<10x1024xf32> to vector<1x1024xf32>
    %squeeze3A_147 = vector.shape_cast %slice3A_146 : vector<1x1024xf32> to vector<1024xf32>
    %broadcast_in_dim3A_148 = vector.shape_cast %squeeze3A_147 : vector<1024xf32> to vector<1x1024xf32>
    %slice3A_149 = vector.extract_strided_slice %get3A_10 {offsets = [0, 3, 0], sizes = [20, 1, 1024], strides = [1, 1, 1]} : vector<20x10x1024xf32> to vector<20x1x1024xf32>
    %squeeze3A_150 = vector.shape_cast %slice3A_149 : vector<20x1x1024xf32> to vector<20x1024xf32>
    %add3A_151 = vector.broadcast %broadcast_in_dim3A_148 : vector<1x1024xf32> to vector<20x1024xf32>
    %add3A_152 = arith.addf %add3A_151, %squeeze3A_150 : vector<20x1024xf32>
    %gt3A_153 = arith.cmpf ogt, %add3A_152, %select_n3A_105 : vector<20x1024xf32>
    %select_n3A_154 = arith.select %gt3A_153, %add3A_152, %select_n3A_105 : vector<20x1024xi1>, vector<20x1024xf32>
    %get3A_155 = arith.constant 3 : index
    %get3A_156 = arith.constant 0 : index
    %get3A_157 = vector.load %arg1[%get3A_155, %get3A_156] : memref<10x1024xf32, #tpu.memory_space<vmem>>, vector<1x1024xf32>
    %get3A_158 = vector.shape_cast %get3A_157 : vector<1x1024xf32> to vector<1024xf32>
    %broadcast_in_dim3A_159 = vector.shape_cast %get3A_158 : vector<1024xf32> to vector<1x1024xf32>
    %broadcast_in_dim3A_160 = vector.shape_cast %broadcast_in_dim3A_159 : vector<1x1024xf32> to vector<1x1024xf32>
    %broadcast_in_dim3A_161 = vector.broadcast %broadcast_in_dim3A_160 : vector<1x1024xf32> to vector<20x1024xf32>
    %select_n3A_162 = arith.select %gt3A_153, %broadcast_in_dim3A_161, %select_n3A_113 : vector<20x1024xi1>, vector<20x1024xf32>
    %get3A_163 = arith.constant 3 : index
    %get3A_164 = arith.constant 0 : index
    %get3A_165 = vector.load %arg2[%get3A_163, %get3A_164] : memref<10x1024xf32, #tpu.memory_space<vmem>>, vector<1x1024xf32>
    %get3A_166 = vector.shape_cast %get3A_165 : vector<1x1024xf32> to vector<1024xf32>
    %broadcast_in_dim3A_167 = vector.shape_cast %get3A_166 : vector<1024xf32> to vector<1x1024xf32>
    %broadcast_in_dim3A_168 = vector.shape_cast %broadcast_in_dim3A_167 : vector<1x1024xf32> to vector<1x1024xf32>
    %broadcast_in_dim3A_169 = vector.broadcast %broadcast_in_dim3A_168 : vector<1x1024xf32> to vector<20x1024xf32>
    %select_n3A_170 = arith.select %gt3A_153, %broadcast_in_dim3A_169, %select_n3A_121 : vector<20x1024xi1>, vector<20x1024xf32>
    %get3A_171 = arith.constant 3 : index
    %get3A_172 = arith.constant 0 : index
    %get3A_173 = vector.load %arg3[%get3A_171, %get3A_172] : memref<10x1024xf32, #tpu.memory_space<vmem>>, vector<1x1024xf32>
    %get3A_174 = vector.shape_cast %get3A_173 : vector<1x1024xf32> to vector<1024xf32>
    %broadcast_in_dim3A_175 = vector.shape_cast %get3A_174 : vector<1024xf32> to vector<1x1024xf32>
    %broadcast_in_dim3A_176 = vector.shape_cast %broadcast_in_dim3A_175 : vector<1x1024xf32> to vector<1x1024xf32>
    %broadcast_in_dim3A_177 = vector.broadcast %broadcast_in_dim3A_176 : vector<1x1024xf32> to vector<20x1024xf32>
    %select_n3A_178 = arith.select %gt3A_153, %broadcast_in_dim3A_177, %select_n3A_129 : vector<20x1024xi1>, vector<20x1024xf32>
    %get3A_179 = arith.constant 3 : index
    %get3A_180 = arith.constant 0 : index
    %get3A_181 = vector.load %arg4[%get3A_179, %get3A_180] : memref<10x1024xf32, #tpu.memory_space<vmem>>, vector<1x1024xf32>
    %get3A_182 = vector.shape_cast %get3A_181 : vector<1x1024xf32> to vector<1024xf32>
    %broadcast_in_dim3A_183 = vector.shape_cast %get3A_182 : vector<1024xf32> to vector<1x1024xf32>
    %broadcast_in_dim3A_184 = vector.shape_cast %broadcast_in_dim3A_183 : vector<1x1024xf32> to vector<1x1024xf32>
    %broadcast_in_dim3A_185 = vector.broadcast %broadcast_in_dim3A_184 : vector<1x1024xf32> to vector<20x1024xf32>
    %select_n3A_186 = arith.select %gt3A_153, %broadcast_in_dim3A_185, %select_n3A_137 : vector<20x1024xi1>, vector<20x1024xf32>
    %get3A_187 = arith.constant 3 : index
    %get3A_188 = arith.constant 0 : index
    %get3A_189 = vector.load %arg5[%get3A_187, %get3A_188] : memref<10x1024xf32, #tpu.memory_space<vmem>>, vector<1x1024xf32>
    %get3A_190 = vector.shape_cast %get3A_189 : vector<1x1024xf32> to vector<1024xf32>
    %broadcast_in_dim3A_191 = vector.shape_cast %get3A_190 : vector<1024xf32> to vector<1x1024xf32>
    %broadcast_in_dim3A_192 = vector.shape_cast %broadcast_in_dim3A_191 : vector<1x1024xf32> to vector<1x1024xf32>
    %broadcast_in_dim3A_193 = vector.broadcast %broadcast_in_dim3A_192 : vector<1x1024xf32> to vector<20x1024xf32>
    %select_n3A_194 = arith.select %gt3A_153, %broadcast_in_dim3A_193, %select_n3A_145 : vector<20x1024xi1>, vector<20x1024xf32>
    %slice3A_195 = vector.extract_strided_slice %log3A {offsets = [4, 0], sizes = [1, 1024], strides = [1, 1]} : vector<10x1024xf32> to vector<1x1024xf32>
    %squeeze3A_196 = vector.shape_cast %slice3A_195 : vector<1x1024xf32> to vector<1024xf32>
    %broadcast_in_dim3A_197 = vector.shape_cast %squeeze3A_196 : vector<1024xf32> to vector<1x1024xf32>
    %slice3A_198 = vector.extract_strided_slice %get3A_10 {offsets = [0, 4, 0], sizes = [20, 1, 1024], strides = [1, 1, 1]} : vector<20x10x1024xf32> to vector<20x1x1024xf32>
    %squeeze3A_199 = vector.shape_cast %slice3A_198 : vector<20x1x1024xf32> to vector<20x1024xf32>
    %add3A_200 = vector.broadcast %broadcast_in_dim3A_197 : vector<1x1024xf32> to vector<20x1024xf32>
    %add3A_201 = arith.addf %add3A_200, %squeeze3A_199 : vector<20x1024xf32>
    %gt3A_202 = arith.cmpf ogt, %add3A_201, %select_n3A_154 : vector<20x1024xf32>
    %select_n3A_203 = arith.select %gt3A_202, %add3A_201, %select_n3A_154 : vector<20x1024xi1>, vector<20x1024xf32>
    %get3A_204 = arith.constant 4 : index
    %get3A_205 = arith.constant 0 : index
    %get3A_206 = vector.load %arg1[%get3A_204, %get3A_205] : memref<10x1024xf32, #tpu.memory_space<vmem>>, vector<1x1024xf32>
    %get3A_207 = vector.shape_cast %get3A_206 : vector<1x1024xf32> to vector<1024xf32>
    %broadcast_in_dim3A_208 = vector.shape_cast %get3A_207 : vector<1024xf32> to vector<1x1024xf32>
    %broadcast_in_dim3A_209 = vector.shape_cast %broadcast_in_dim3A_208 : vector<1x1024xf32> to vector<1x1024xf32>
    %broadcast_in_dim3A_210 = vector.broadcast %broadcast_in_dim3A_209 : vector<1x1024xf32> to vector<20x1024xf32>
    %select_n3A_211 = arith.select %gt3A_202, %broadcast_in_dim3A_210, %select_n3A_162 : vector<20x1024xi1>, vector<20x1024xf32>
    %get3A_212 = arith.constant 4 : index
    %get3A_213 = arith.constant 0 : index
    %get3A_214 = vector.load %arg2[%get3A_212, %get3A_213] : memref<10x1024xf32, #tpu.memory_space<vmem>>, vector<1x1024xf32>
    %get3A_215 = vector.shape_cast %get3A_214 : vector<1x1024xf32> to vector<1024xf32>
    %broadcast_in_dim3A_216 = vector.shape_cast %get3A_215 : vector<1024xf32> to vector<1x1024xf32>
    %broadcast_in_dim3A_217 = vector.shape_cast %broadcast_in_dim3A_216 : vector<1x1024xf32> to vector<1x1024xf32>
    %broadcast_in_dim3A_218 = vector.broadcast %broadcast_in_dim3A_217 : vector<1x1024xf32> to vector<20x1024xf32>
    %select_n3A_219 = arith.select %gt3A_202, %broadcast_in_dim3A_218, %select_n3A_170 : vector<20x1024xi1>, vector<20x1024xf32>
    %get3A_220 = arith.constant 4 : index
    %get3A_221 = arith.constant 0 : index
    %get3A_222 = vector.load %arg3[%get3A_220, %get3A_221] : memref<10x1024xf32, #tpu.memory_space<vmem>>, vector<1x1024xf32>
    %get3A_223 = vector.shape_cast %get3A_222 : vector<1x1024xf32> to vector<1024xf32>
    %broadcast_in_dim3A_224 = vector.shape_cast %get3A_223 : vector<1024xf32> to vector<1x1024xf32>
    %broadcast_in_dim3A_225 = vector.shape_cast %broadcast_in_dim3A_224 : vector<1x1024xf32> to vector<1x1024xf32>
    %broadcast_in_dim3A_226 = vector.broadcast %broadcast_in_dim3A_225 : vector<1x1024xf32> to vector<20x1024xf32>
    %select_n3A_227 = arith.select %gt3A_202, %broadcast_in_dim3A_226, %select_n3A_178 : vector<20x1024xi1>, vector<20x1024xf32>
    %get3A_228 = arith.constant 4 : index
    %get3A_229 = arith.constant 0 : index
    %get3A_230 = vector.load %arg4[%get3A_228, %get3A_229] : memref<10x1024xf32, #tpu.memory_space<vmem>>, vector<1x1024xf32>
    %get3A_231 = vector.shape_cast %get3A_230 : vector<1x1024xf32> to vector<1024xf32>
    %broadcast_in_dim3A_232 = vector.shape_cast %get3A_231 : vector<1024xf32> to vector<1x1024xf32>
    %broadcast_in_dim3A_233 = vector.shape_cast %broadcast_in_dim3A_232 : vector<1x1024xf32> to vector<1x1024xf32>
    %broadcast_in_dim3A_234 = vector.broadcast %broadcast_in_dim3A_233 : vector<1x1024xf32> to vector<20x1024xf32>
    %select_n3A_235 = arith.select %gt3A_202, %broadcast_in_dim3A_234, %select_n3A_186 : vector<20x1024xi1>, vector<20x1024xf32>
    %get3A_236 = arith.constant 4 : index
    %get3A_237 = arith.constant 0 : index
    %get3A_238 = vector.load %arg5[%get3A_236, %get3A_237] : memref<10x1024xf32, #tpu.memory_space<vmem>>, vector<1x1024xf32>
    %get3A_239 = vector.shape_cast %get3A_238 : vector<1x1024xf32> to vector<1024xf32>
    %broadcast_in_dim3A_240 = vector.shape_cast %get3A_239 : vector<1024xf32> to vector<1x1024xf32>
    %broadcast_in_dim3A_241 = vector.shape_cast %broadcast_in_dim3A_240 : vector<1x1024xf32> to vector<1x1024xf32>
    %broadcast_in_dim3A_242 = vector.broadcast %broadcast_in_dim3A_241 : vector<1x1024xf32> to vector<20x1024xf32>
    %select_n3A_243 = arith.select %gt3A_202, %broadcast_in_dim3A_242, %select_n3A_194 : vector<20x1024xi1>, vector<20x1024xf32>
    %slice3A_244 = vector.extract_strided_slice %log3A {offsets = [5, 0], sizes = [1, 1024], strides = [1, 1]} : vector<10x1024xf32> to vector<1x1024xf32>
    %squeeze3A_245 = vector.shape_cast %slice3A_244 : vector<1x1024xf32> to vector<1024xf32>
    %broadcast_in_dim3A_246 = vector.shape_cast %squeeze3A_245 : vector<1024xf32> to vector<1x1024xf32>
    %slice3A_247 = vector.extract_strided_slice %get3A_10 {offsets = [0, 5, 0], sizes = [20, 1, 1024], strides = [1, 1, 1]} : vector<20x10x1024xf32> to vector<20x1x1024xf32>
    %squeeze3A_248 = vector.shape_cast %slice3A_247 : vector<20x1x1024xf32> to vector<20x1024xf32>
    %add3A_249 = vector.broadcast %broadcast_in_dim3A_246 : vector<1x1024xf32> to vector<20x1024xf32>
    %add3A_250 = arith.addf %add3A_249, %squeeze3A_248 : vector<20x1024xf32>
    %gt3A_251 = arith.cmpf ogt, %add3A_250, %select_n3A_203 : vector<20x1024xf32>
    %select_n3A_252 = arith.select %gt3A_251, %add3A_250, %select_n3A_203 : vector<20x1024xi1>, vector<20x1024xf32>
    %get3A_253 = arith.constant 5 : index
    %get3A_254 = arith.constant 0 : index
    %get3A_255 = vector.load %arg1[%get3A_253, %get3A_254] : memref<10x1024xf32, #tpu.memory_space<vmem>>, vector<1x1024xf32>
    %get3A_256 = vector.shape_cast %get3A_255 : vector<1x1024xf32> to vector<1024xf32>
    %broadcast_in_dim3A_257 = vector.shape_cast %get3A_256 : vector<1024xf32> to vector<1x1024xf32>
    %broadcast_in_dim3A_258 = vector.shape_cast %broadcast_in_dim3A_257 : vector<1x1024xf32> to vector<1x1024xf32>
    %broadcast_in_dim3A_259 = vector.broadcast %broadcast_in_dim3A_258 : vector<1x1024xf32> to vector<20x1024xf32>
    %select_n3A_260 = arith.select %gt3A_251, %broadcast_in_dim3A_259, %select_n3A_211 : vector<20x1024xi1>, vector<20x1024xf32>
    %get3A_261 = arith.constant 5 : index
    %get3A_262 = arith.constant 0 : index
    %get3A_263 = vector.load %arg2[%get3A_261, %get3A_262] : memref<10x1024xf32, #tpu.memory_space<vmem>>, vector<1x1024xf32>
    %get3A_264 = vector.shape_cast %get3A_263 : vector<1x1024xf32> to vector<1024xf32>
    %broadcast_in_dim3A_265 = vector.shape_cast %get3A_264 : vector<1024xf32> to vector<1x1024xf32>
    %broadcast_in_dim3A_266 = vector.shape_cast %broadcast_in_dim3A_265 : vector<1x1024xf32> to vector<1x1024xf32>
    %broadcast_in_dim3A_267 = vector.broadcast %broadcast_in_dim3A_266 : vector<1x1024xf32> to vector<20x1024xf32>
    %select_n3A_268 = arith.select %gt3A_251, %broadcast_in_dim3A_267, %select_n3A_219 : vector<20x1024xi1>, vector<20x1024xf32>
    %get3A_269 = arith.constant 5 : index
    %get3A_270 = arith.constant 0 : index
    %get3A_271 = vector.load %arg3[%get3A_269, %get3A_270] : memref<10x1024xf32, #tpu.memory_space<vmem>>, vector<1x1024xf32>
    %get3A_272 = vector.shape_cast %get3A_271 : vector<1x1024xf32> to vector<1024xf32>
    %broadcast_in_dim3A_273 = vector.shape_cast %get3A_272 : vector<1024xf32> to vector<1x1024xf32>
    %broadcast_in_dim3A_274 = vector.shape_cast %broadcast_in_dim3A_273 : vector<1x1024xf32> to vector<1x1024xf32>
    %broadcast_in_dim3A_275 = vector.broadcast %broadcast_in_dim3A_274 : vector<1x1024xf32> to vector<20x1024xf32>
    %select_n3A_276 = arith.select %gt3A_251, %broadcast_in_dim3A_275, %select_n3A_227 : vector<20x1024xi1>, vector<20x1024xf32>
    %get3A_277 = arith.constant 5 : index
    %get3A_278 = arith.constant 0 : index
    %get3A_279 = vector.load %arg4[%get3A_277, %get3A_278] : memref<10x1024xf32, #tpu.memory_space<vmem>>, vector<1x1024xf32>
    %get3A_280 = vector.shape_cast %get3A_279 : vector<1x1024xf32> to vector<1024xf32>
    %broadcast_in_dim3A_281 = vector.shape_cast %get3A_280 : vector<1024xf32> to vector<1x1024xf32>
    %broadcast_in_dim3A_282 = vector.shape_cast %broadcast_in_dim3A_281 : vector<1x1024xf32> to vector<1x1024xf32>
    %broadcast_in_dim3A_283 = vector.broadcast %broadcast_in_dim3A_282 : vector<1x1024xf32> to vector<20x1024xf32>
    %select_n3A_284 = arith.select %gt3A_251, %broadcast_in_dim3A_283, %select_n3A_235 : vector<20x1024xi1>, vector<20x1024xf32>
    %get3A_285 = arith.constant 5 : index
    %get3A_286 = arith.constant 0 : index
    %get3A_287 = vector.load %arg5[%get3A_285, %get3A_286] : memref<10x1024xf32, #tpu.memory_space<vmem>>, vector<1x1024xf32>
    %get3A_288 = vector.shape_cast %get3A_287 : vector<1x1024xf32> to vector<1024xf32>
    %broadcast_in_dim3A_289 = vector.shape_cast %get3A_288 : vector<1024xf32> to vector<1x1024xf32>
    %broadcast_in_dim3A_290 = vector.shape_cast %broadcast_in_dim3A_289 : vector<1x1024xf32> to vector<1x1024xf32>
    %broadcast_in_dim3A_291 = vector.broadcast %broadcast_in_dim3A_290 : vector<1x1024xf32> to vector<20x1024xf32>
    %select_n3A_292 = arith.select %gt3A_251, %broadcast_in_dim3A_291, %select_n3A_243 : vector<20x1024xi1>, vector<20x1024xf32>
    %slice3A_293 = vector.extract_strided_slice %log3A {offsets = [6, 0], sizes = [1, 1024], strides = [1, 1]} : vector<10x1024xf32> to vector<1x1024xf32>
    %squeeze3A_294 = vector.shape_cast %slice3A_293 : vector<1x1024xf32> to vector<1024xf32>
    %broadcast_in_dim3A_295 = vector.shape_cast %squeeze3A_294 : vector<1024xf32> to vector<1x1024xf32>
    %slice3A_296 = vector.extract_strided_slice %get3A_10 {offsets = [0, 6, 0], sizes = [20, 1, 1024], strides = [1, 1, 1]} : vector<20x10x1024xf32> to vector<20x1x1024xf32>
    %squeeze3A_297 = vector.shape_cast %slice3A_296 : vector<20x1x1024xf32> to vector<20x1024xf32>
    %add3A_298 = vector.broadcast %broadcast_in_dim3A_295 : vector<1x1024xf32> to vector<20x1024xf32>
    %add3A_299 = arith.addf %add3A_298, %squeeze3A_297 : vector<20x1024xf32>
    %gt3A_300 = arith.cmpf ogt, %add3A_299, %select_n3A_252 : vector<20x1024xf32>
    %select_n3A_301 = arith.select %gt3A_300, %add3A_299, %select_n3A_252 : vector<20x1024xi1>, vector<20x1024xf32>
    %get3A_302 = arith.constant 6 : index
    %get3A_303 = arith.constant 0 : index
    %get3A_304 = vector.load %arg1[%get3A_302, %get3A_303] : memref<10x1024xf32, #tpu.memory_space<vmem>>, vector<1x1024xf32>
    %get3A_305 = vector.shape_cast %get3A_304 : vector<1x1024xf32> to vector<1024xf32>
    %broadcast_in_dim3A_306 = vector.shape_cast %get3A_305 : vector<1024xf32> to vector<1x1024xf32>
    %broadcast_in_dim3A_307 = vector.shape_cast %broadcast_in_dim3A_306 : vector<1x1024xf32> to vector<1x1024xf32>
    %broadcast_in_dim3A_308 = vector.broadcast %broadcast_in_dim3A_307 : vector<1x1024xf32> to vector<20x1024xf32>
    %select_n3A_309 = arith.select %gt3A_300, %broadcast_in_dim3A_308, %select_n3A_260 : vector<20x1024xi1>, vector<20x1024xf32>
    %get3A_310 = arith.constant 6 : index
    %get3A_311 = arith.constant 0 : index
    %get3A_312 = vector.load %arg2[%get3A_310, %get3A_311] : memref<10x1024xf32, #tpu.memory_space<vmem>>, vector<1x1024xf32>
    %get3A_313 = vector.shape_cast %get3A_312 : vector<1x1024xf32> to vector<1024xf32>
    %broadcast_in_dim3A_314 = vector.shape_cast %get3A_313 : vector<1024xf32> to vector<1x1024xf32>
    %broadcast_in_dim3A_315 = vector.shape_cast %broadcast_in_dim3A_314 : vector<1x1024xf32> to vector<1x1024xf32>
    %broadcast_in_dim3A_316 = vector.broadcast %broadcast_in_dim3A_315 : vector<1x1024xf32> to vector<20x1024xf32>
    %select_n3A_317 = arith.select %gt3A_300, %broadcast_in_dim3A_316, %select_n3A_268 : vector<20x1024xi1>, vector<20x1024xf32>
    %get3A_318 = arith.constant 6 : index
    %get3A_319 = arith.constant 0 : index
    %get3A_320 = vector.load %arg3[%get3A_318, %get3A_319] : memref<10x1024xf32, #tpu.memory_space<vmem>>, vector<1x1024xf32>
    %get3A_321 = vector.shape_cast %get3A_320 : vector<1x1024xf32> to vector<1024xf32>
    %broadcast_in_dim3A_322 = vector.shape_cast %get3A_321 : vector<1024xf32> to vector<1x1024xf32>
    %broadcast_in_dim3A_323 = vector.shape_cast %broadcast_in_dim3A_322 : vector<1x1024xf32> to vector<1x1024xf32>
    %broadcast_in_dim3A_324 = vector.broadcast %broadcast_in_dim3A_323 : vector<1x1024xf32> to vector<20x1024xf32>
    %select_n3A_325 = arith.select %gt3A_300, %broadcast_in_dim3A_324, %select_n3A_276 : vector<20x1024xi1>, vector<20x1024xf32>
    %get3A_326 = arith.constant 6 : index
    %get3A_327 = arith.constant 0 : index
    %get3A_328 = vector.load %arg4[%get3A_326, %get3A_327] : memref<10x1024xf32, #tpu.memory_space<vmem>>, vector<1x1024xf32>
    %get3A_329 = vector.shape_cast %get3A_328 : vector<1x1024xf32> to vector<1024xf32>
    %broadcast_in_dim3A_330 = vector.shape_cast %get3A_329 : vector<1024xf32> to vector<1x1024xf32>
    %broadcast_in_dim3A_331 = vector.shape_cast %broadcast_in_dim3A_330 : vector<1x1024xf32> to vector<1x1024xf32>
    %broadcast_in_dim3A_332 = vector.broadcast %broadcast_in_dim3A_331 : vector<1x1024xf32> to vector<20x1024xf32>
    %select_n3A_333 = arith.select %gt3A_300, %broadcast_in_dim3A_332, %select_n3A_284 : vector<20x1024xi1>, vector<20x1024xf32>
    %get3A_334 = arith.constant 6 : index
    %get3A_335 = arith.constant 0 : index
    %get3A_336 = vector.load %arg5[%get3A_334, %get3A_335] : memref<10x1024xf32, #tpu.memory_space<vmem>>, vector<1x1024xf32>
    %get3A_337 = vector.shape_cast %get3A_336 : vector<1x1024xf32> to vector<1024xf32>
    %broadcast_in_dim3A_338 = vector.shape_cast %get3A_337 : vector<1024xf32> to vector<1x1024xf32>
    %broadcast_in_dim3A_339 = vector.shape_cast %broadcast_in_dim3A_338 : vector<1x1024xf32> to vector<1x1024xf32>
    %broadcast_in_dim3A_340 = vector.broadcast %broadcast_in_dim3A_339 : vector<1x1024xf32> to vector<20x1024xf32>
    %select_n3A_341 = arith.select %gt3A_300, %broadcast_in_dim3A_340, %select_n3A_292 : vector<20x1024xi1>, vector<20x1024xf32>
    %slice3A_342 = vector.extract_strided_slice %log3A {offsets = [7, 0], sizes = [1, 1024], strides = [1, 1]} : vector<10x1024xf32> to vector<1x1024xf32>
    %squeeze3A_343 = vector.shape_cast %slice3A_342 : vector<1x1024xf32> to vector<1024xf32>
    %broadcast_in_dim3A_344 = vector.shape_cast %squeeze3A_343 : vector<1024xf32> to vector<1x1024xf32>
    %slice3A_345 = vector.extract_strided_slice %get3A_10 {offsets = [0, 7, 0], sizes = [20, 1, 1024], strides = [1, 1, 1]} : vector<20x10x1024xf32> to vector<20x1x1024xf32>
    %squeeze3A_346 = vector.shape_cast %slice3A_345 : vector<20x1x1024xf32> to vector<20x1024xf32>
    %add3A_347 = vector.broadcast %broadcast_in_dim3A_344 : vector<1x1024xf32> to vector<20x1024xf32>
    %add3A_348 = arith.addf %add3A_347, %squeeze3A_346 : vector<20x1024xf32>
    %gt3A_349 = arith.cmpf ogt, %add3A_348, %select_n3A_301 : vector<20x1024xf32>
    %select_n3A_350 = arith.select %gt3A_349, %add3A_348, %select_n3A_301 : vector<20x1024xi1>, vector<20x1024xf32>
    %get3A_351 = arith.constant 7 : index
    %get3A_352 = arith.constant 0 : index
    %get3A_353 = vector.load %arg1[%get3A_351, %get3A_352] : memref<10x1024xf32, #tpu.memory_space<vmem>>, vector<1x1024xf32>
    %get3A_354 = vector.shape_cast %get3A_353 : vector<1x1024xf32> to vector<1024xf32>
    %broadcast_in_dim3A_355 = vector.shape_cast %get3A_354 : vector<1024xf32> to vector<1x1024xf32>
    %broadcast_in_dim3A_356 = vector.shape_cast %broadcast_in_dim3A_355 : vector<1x1024xf32> to vector<1x1024xf32>
    %broadcast_in_dim3A_357 = vector.broadcast %broadcast_in_dim3A_356 : vector<1x1024xf32> to vector<20x1024xf32>
    %select_n3A_358 = arith.select %gt3A_349, %broadcast_in_dim3A_357, %select_n3A_309 : vector<20x1024xi1>, vector<20x1024xf32>
    %get3A_359 = arith.constant 7 : index
    %get3A_360 = arith.constant 0 : index
    %get3A_361 = vector.load %arg2[%get3A_359, %get3A_360] : memref<10x1024xf32, #tpu.memory_space<vmem>>, vector<1x1024xf32>
    %get3A_362 = vector.shape_cast %get3A_361 : vector<1x1024xf32> to vector<1024xf32>
    %broadcast_in_dim3A_363 = vector.shape_cast %get3A_362 : vector<1024xf32> to vector<1x1024xf32>
    %broadcast_in_dim3A_364 = vector.shape_cast %broadcast_in_dim3A_363 : vector<1x1024xf32> to vector<1x1024xf32>
    %broadcast_in_dim3A_365 = vector.broadcast %broadcast_in_dim3A_364 : vector<1x1024xf32> to vector<20x1024xf32>
    %select_n3A_366 = arith.select %gt3A_349, %broadcast_in_dim3A_365, %select_n3A_317 : vector<20x1024xi1>, vector<20x1024xf32>
    %get3A_367 = arith.constant 7 : index
    %get3A_368 = arith.constant 0 : index
    %get3A_369 = vector.load %arg3[%get3A_367, %get3A_368] : memref<10x1024xf32, #tpu.memory_space<vmem>>, vector<1x1024xf32>
    %get3A_370 = vector.shape_cast %get3A_369 : vector<1x1024xf32> to vector<1024xf32>
    %broadcast_in_dim3A_371 = vector.shape_cast %get3A_370 : vector<1024xf32> to vector<1x1024xf32>
    %broadcast_in_dim3A_372 = vector.shape_cast %broadcast_in_dim3A_371 : vector<1x1024xf32> to vector<1x1024xf32>
    %broadcast_in_dim3A_373 = vector.broadcast %broadcast_in_dim3A_372 : vector<1x1024xf32> to vector<20x1024xf32>
    %select_n3A_374 = arith.select %gt3A_349, %broadcast_in_dim3A_373, %select_n3A_325 : vector<20x1024xi1>, vector<20x1024xf32>
    %get3A_375 = arith.constant 7 : index
    %get3A_376 = arith.constant 0 : index
    %get3A_377 = vector.load %arg4[%get3A_375, %get3A_376] : memref<10x1024xf32, #tpu.memory_space<vmem>>, vector<1x1024xf32>
    %get3A_378 = vector.shape_cast %get3A_377 : vector<1x1024xf32> to vector<1024xf32>
    %broadcast_in_dim3A_379 = vector.shape_cast %get3A_378 : vector<1024xf32> to vector<1x1024xf32>
    %broadcast_in_dim3A_380 = vector.shape_cast %broadcast_in_dim3A_379 : vector<1x1024xf32> to vector<1x1024xf32>
    %broadcast_in_dim3A_381 = vector.broadcast %broadcast_in_dim3A_380 : vector<1x1024xf32> to vector<20x1024xf32>
    %select_n3A_382 = arith.select %gt3A_349, %broadcast_in_dim3A_381, %select_n3A_333 : vector<20x1024xi1>, vector<20x1024xf32>
    %get3A_383 = arith.constant 7 : index
    %get3A_384 = arith.constant 0 : index
    %get3A_385 = vector.load %arg5[%get3A_383, %get3A_384] : memref<10x1024xf32, #tpu.memory_space<vmem>>, vector<1x1024xf32>
    %get3A_386 = vector.shape_cast %get3A_385 : vector<1x1024xf32> to vector<1024xf32>
    %broadcast_in_dim3A_387 = vector.shape_cast %get3A_386 : vector<1024xf32> to vector<1x1024xf32>
    %broadcast_in_dim3A_388 = vector.shape_cast %broadcast_in_dim3A_387 : vector<1x1024xf32> to vector<1x1024xf32>
    %broadcast_in_dim3A_389 = vector.broadcast %broadcast_in_dim3A_388 : vector<1x1024xf32> to vector<20x1024xf32>
    %select_n3A_390 = arith.select %gt3A_349, %broadcast_in_dim3A_389, %select_n3A_341 : vector<20x1024xi1>, vector<20x1024xf32>
    %slice3A_391 = vector.extract_strided_slice %log3A {offsets = [8, 0], sizes = [1, 1024], strides = [1, 1]} : vector<10x1024xf32> to vector<1x1024xf32>
    %squeeze3A_392 = vector.shape_cast %slice3A_391 : vector<1x1024xf32> to vector<1024xf32>
    %broadcast_in_dim3A_393 = vector.shape_cast %squeeze3A_392 : vector<1024xf32> to vector<1x1024xf32>
    %slice3A_394 = vector.extract_strided_slice %get3A_10 {offsets = [0, 8, 0], sizes = [20, 1, 1024], strides = [1, 1, 1]} : vector<20x10x1024xf32> to vector<20x1x1024xf32>
    %squeeze3A_395 = vector.shape_cast %slice3A_394 : vector<20x1x1024xf32> to vector<20x1024xf32>
    %add3A_396 = vector.broadcast %broadcast_in_dim3A_393 : vector<1x1024xf32> to vector<20x1024xf32>
    %add3A_397 = arith.addf %add3A_396, %squeeze3A_395 : vector<20x1024xf32>
    %gt3A_398 = arith.cmpf ogt, %add3A_397, %select_n3A_350 : vector<20x1024xf32>
    %select_n3A_399 = arith.select %gt3A_398, %add3A_397, %select_n3A_350 : vector<20x1024xi1>, vector<20x1024xf32>
    %get3A_400 = arith.constant 8 : index
    %get3A_401 = arith.constant 0 : index
    %get3A_402 = vector.load %arg1[%get3A_400, %get3A_401] : memref<10x1024xf32, #tpu.memory_space<vmem>>, vector<1x1024xf32>
    %get3A_403 = vector.shape_cast %get3A_402 : vector<1x1024xf32> to vector<1024xf32>
    %broadcast_in_dim3A_404 = vector.shape_cast %get3A_403 : vector<1024xf32> to vector<1x1024xf32>
    %broadcast_in_dim3A_405 = vector.shape_cast %broadcast_in_dim3A_404 : vector<1x1024xf32> to vector<1x1024xf32>
    %broadcast_in_dim3A_406 = vector.broadcast %broadcast_in_dim3A_405 : vector<1x1024xf32> to vector<20x1024xf32>
    %select_n3A_407 = arith.select %gt3A_398, %broadcast_in_dim3A_406, %select_n3A_358 : vector<20x1024xi1>, vector<20x1024xf32>
    %get3A_408 = arith.constant 8 : index
    %get3A_409 = arith.constant 0 : index
    %get3A_410 = vector.load %arg2[%get3A_408, %get3A_409] : memref<10x1024xf32, #tpu.memory_space<vmem>>, vector<1x1024xf32>
    %get3A_411 = vector.shape_cast %get3A_410 : vector<1x1024xf32> to vector<1024xf32>
    %broadcast_in_dim3A_412 = vector.shape_cast %get3A_411 : vector<1024xf32> to vector<1x1024xf32>
    %broadcast_in_dim3A_413 = vector.shape_cast %broadcast_in_dim3A_412 : vector<1x1024xf32> to vector<1x1024xf32>
    %broadcast_in_dim3A_414 = vector.broadcast %broadcast_in_dim3A_413 : vector<1x1024xf32> to vector<20x1024xf32>
    %select_n3A_415 = arith.select %gt3A_398, %broadcast_in_dim3A_414, %select_n3A_366 : vector<20x1024xi1>, vector<20x1024xf32>
    %get3A_416 = arith.constant 8 : index
    %get3A_417 = arith.constant 0 : index
    %get3A_418 = vector.load %arg3[%get3A_416, %get3A_417] : memref<10x1024xf32, #tpu.memory_space<vmem>>, vector<1x1024xf32>
    %get3A_419 = vector.shape_cast %get3A_418 : vector<1x1024xf32> to vector<1024xf32>
    %broadcast_in_dim3A_420 = vector.shape_cast %get3A_419 : vector<1024xf32> to vector<1x1024xf32>
    %broadcast_in_dim3A_421 = vector.shape_cast %broadcast_in_dim3A_420 : vector<1x1024xf32> to vector<1x1024xf32>
    %broadcast_in_dim3A_422 = vector.broadcast %broadcast_in_dim3A_421 : vector<1x1024xf32> to vector<20x1024xf32>
    %select_n3A_423 = arith.select %gt3A_398, %broadcast_in_dim3A_422, %select_n3A_374 : vector<20x1024xi1>, vector<20x1024xf32>
    %get3A_424 = arith.constant 8 : index
    %get3A_425 = arith.constant 0 : index
    %get3A_426 = vector.load %arg4[%get3A_424, %get3A_425] : memref<10x1024xf32, #tpu.memory_space<vmem>>, vector<1x1024xf32>
    %get3A_427 = vector.shape_cast %get3A_426 : vector<1x1024xf32> to vector<1024xf32>
    %broadcast_in_dim3A_428 = vector.shape_cast %get3A_427 : vector<1024xf32> to vector<1x1024xf32>
    %broadcast_in_dim3A_429 = vector.shape_cast %broadcast_in_dim3A_428 : vector<1x1024xf32> to vector<1x1024xf32>
    %broadcast_in_dim3A_430 = vector.broadcast %broadcast_in_dim3A_429 : vector<1x1024xf32> to vector<20x1024xf32>
    %select_n3A_431 = arith.select %gt3A_398, %broadcast_in_dim3A_430, %select_n3A_382 : vector<20x1024xi1>, vector<20x1024xf32>
    %get3A_432 = arith.constant 8 : index
    %get3A_433 = arith.constant 0 : index
    %get3A_434 = vector.load %arg5[%get3A_432, %get3A_433] : memref<10x1024xf32, #tpu.memory_space<vmem>>, vector<1x1024xf32>
    %get3A_435 = vector.shape_cast %get3A_434 : vector<1x1024xf32> to vector<1024xf32>
    %broadcast_in_dim3A_436 = vector.shape_cast %get3A_435 : vector<1024xf32> to vector<1x1024xf32>
    %broadcast_in_dim3A_437 = vector.shape_cast %broadcast_in_dim3A_436 : vector<1x1024xf32> to vector<1x1024xf32>
    %broadcast_in_dim3A_438 = vector.broadcast %broadcast_in_dim3A_437 : vector<1x1024xf32> to vector<20x1024xf32>
    %select_n3A_439 = arith.select %gt3A_398, %broadcast_in_dim3A_438, %select_n3A_390 : vector<20x1024xi1>, vector<20x1024xf32>
    %slice3A_440 = vector.extract_strided_slice %log3A {offsets = [9, 0], sizes = [1, 1024], strides = [1, 1]} : vector<10x1024xf32> to vector<1x1024xf32>
    %squeeze3A_441 = vector.shape_cast %slice3A_440 : vector<1x1024xf32> to vector<1024xf32>
    %broadcast_in_dim3A_442 = vector.shape_cast %squeeze3A_441 : vector<1024xf32> to vector<1x1024xf32>
    %slice3A_443 = vector.extract_strided_slice %get3A_10 {offsets = [0, 9, 0], sizes = [20, 1, 1024], strides = [1, 1, 1]} : vector<20x10x1024xf32> to vector<20x1x1024xf32>
    %squeeze3A_444 = vector.shape_cast %slice3A_443 : vector<20x1x1024xf32> to vector<20x1024xf32>
    %add3A_445 = vector.broadcast %broadcast_in_dim3A_442 : vector<1x1024xf32> to vector<20x1024xf32>
    %add3A_446 = arith.addf %add3A_445, %squeeze3A_444 : vector<20x1024xf32>
    %gt3A_447 = arith.cmpf ogt, %add3A_446, %select_n3A_399 : vector<20x1024xf32>
    %get3A_448 = arith.constant 9 : index
    %get3A_449 = arith.constant 0 : index
    %get3A_450 = vector.load %arg1[%get3A_448, %get3A_449] : memref<10x1024xf32, #tpu.memory_space<vmem>>, vector<1x1024xf32>
    %get3A_451 = vector.shape_cast %get3A_450 : vector<1x1024xf32> to vector<1024xf32>
    %broadcast_in_dim3A_452 = vector.shape_cast %get3A_451 : vector<1024xf32> to vector<1x1024xf32>
    %broadcast_in_dim3A_453 = vector.shape_cast %broadcast_in_dim3A_452 : vector<1x1024xf32> to vector<1x1024xf32>
    %broadcast_in_dim3A_454 = vector.broadcast %broadcast_in_dim3A_453 : vector<1x1024xf32> to vector<20x1024xf32>
    %select_n3A_455 = arith.select %gt3A_447, %broadcast_in_dim3A_454, %select_n3A_407 : vector<20x1024xi1>, vector<20x1024xf32>
    %get3A_456 = arith.constant 9 : index
    %get3A_457 = arith.constant 0 : index
    %get3A_458 = vector.load %arg2[%get3A_456, %get3A_457] : memref<10x1024xf32, #tpu.memory_space<vmem>>, vector<1x1024xf32>
    %get3A_459 = vector.shape_cast %get3A_458 : vector<1x1024xf32> to vector<1024xf32>
    %broadcast_in_dim3A_460 = vector.shape_cast %get3A_459 : vector<1024xf32> to vector<1x1024xf32>
    %broadcast_in_dim3A_461 = vector.shape_cast %broadcast_in_dim3A_460 : vector<1x1024xf32> to vector<1x1024xf32>
    %broadcast_in_dim3A_462 = vector.broadcast %broadcast_in_dim3A_461 : vector<1x1024xf32> to vector<20x1024xf32>
    %select_n3A_463 = arith.select %gt3A_447, %broadcast_in_dim3A_462, %select_n3A_415 : vector<20x1024xi1>, vector<20x1024xf32>
    %get3A_464 = arith.constant 9 : index
    %get3A_465 = arith.constant 0 : index
    %get3A_466 = vector.load %arg3[%get3A_464, %get3A_465] : memref<10x1024xf32, #tpu.memory_space<vmem>>, vector<1x1024xf32>
    %get3A_467 = vector.shape_cast %get3A_466 : vector<1x1024xf32> to vector<1024xf32>
    %broadcast_in_dim3A_468 = vector.shape_cast %get3A_467 : vector<1024xf32> to vector<1x1024xf32>
    %broadcast_in_dim3A_469 = vector.shape_cast %broadcast_in_dim3A_468 : vector<1x1024xf32> to vector<1x1024xf32>
    %broadcast_in_dim3A_470 = vector.broadcast %broadcast_in_dim3A_469 : vector<1x1024xf32> to vector<20x1024xf32>
    %select_n3A_471 = arith.select %gt3A_447, %broadcast_in_dim3A_470, %select_n3A_423 : vector<20x1024xi1>, vector<20x1024xf32>
    %get3A_472 = arith.constant 9 : index
    %get3A_473 = arith.constant 0 : index
    %get3A_474 = vector.load %arg4[%get3A_472, %get3A_473] : memref<10x1024xf32, #tpu.memory_space<vmem>>, vector<1x1024xf32>
    %get3A_475 = vector.shape_cast %get3A_474 : vector<1x1024xf32> to vector<1024xf32>
    %broadcast_in_dim3A_476 = vector.shape_cast %get3A_475 : vector<1024xf32> to vector<1x1024xf32>
    %broadcast_in_dim3A_477 = vector.shape_cast %broadcast_in_dim3A_476 : vector<1x1024xf32> to vector<1x1024xf32>
    %broadcast_in_dim3A_478 = vector.broadcast %broadcast_in_dim3A_477 : vector<1x1024xf32> to vector<20x1024xf32>
    %select_n3A_479 = arith.select %gt3A_447, %broadcast_in_dim3A_478, %select_n3A_431 : vector<20x1024xi1>, vector<20x1024xf32>
    %get3A_480 = arith.constant 9 : index
    %get3A_481 = arith.constant 0 : index
    %get3A_482 = vector.load %arg5[%get3A_480, %get3A_481] : memref<10x1024xf32, #tpu.memory_space<vmem>>, vector<1x1024xf32>
    %get3A_483 = vector.shape_cast %get3A_482 : vector<1x1024xf32> to vector<1024xf32>
    %broadcast_in_dim3A_484 = vector.shape_cast %get3A_483 : vector<1024xf32> to vector<1x1024xf32>
    %broadcast_in_dim3A_485 = vector.shape_cast %broadcast_in_dim3A_484 : vector<1x1024xf32> to vector<1x1024xf32>
    %broadcast_in_dim3A_486 = vector.broadcast %broadcast_in_dim3A_485 : vector<1x1024xf32> to vector<20x1024xf32>
    %select_n3A_487 = arith.select %gt3A_447, %broadcast_in_dim3A_486, %select_n3A_439 : vector<20x1024xi1>, vector<20x1024xf32>
    %exp3A_488 = math.exp %select_n3A_471 : vector<20x1024xf32>
    %exp3A_489 = math.exp %select_n3A_479 : vector<20x1024xf32>
    %tanh3A = math.tanh %select_n3A_487 : vector<20x1024xf32>
    %mul3A = arith.mulf %tanh3A, %exp3A_488 : vector<20x1024xf32>
    %mul3A_490 = arith.mulf %mul3A, %exp3A_489 : vector<20x1024xf32>
    %mul3A_491 = arith.mulf %exp3A_488, %exp3A_488 : vector<20x1024xf32>
    %sqrt3A = math.sqrt %mul3A_491 : vector<20x1024xf32>
    %div3A_492 = arith.divf %mul3A_490, %sqrt3A : vector<20x1024xf32>
    %mul3A_493 = arith.mulf %exp3A_489, %exp3A_489 : vector<20x1024xf32>
    %mul3A_494 = arith.mulf %div3A_492, %div3A_492 : vector<20x1024xf32>
    %sub3A_495 = arith.subf %mul3A_493, %mul3A_494 : vector<20x1024xf32>
    %sqrt3A_496 = math.sqrt %sub3A_495 : vector<20x1024xf32>
    %get3A_497 = arith.constant 0 : index
    %get3A_498 = arith.constant 0 : index
    %get3A_499 = vector.load %arg7[%get3A_497, %get3A_498] : memref<20x1024xf32, #tpu.memory_space<vmem>>, vector<20x1024xf32>
    %get3A_500 = arith.constant 0 : index
    %get3A_501 = arith.constant 0 : index
    %get3A_502 = vector.load %arg8[%get3A_500, %get3A_501] : memref<20x1024xf32, #tpu.memory_space<vmem>>, vector<20x1024xf32>
    %mul3A_503 = arith.mulf %sqrt3A, %get3A_499 : vector<20x1024xf32>
    %add3A_504 = arith.addf %select_n3A_455, %mul3A_503 : vector<20x1024xf32>
    %mul3A_505 = arith.mulf %div3A_492, %get3A_499 : vector<20x1024xf32>
    %mul3A_506 = arith.mulf %sqrt3A_496, %get3A_502 : vector<20x1024xf32>
    %add3A_507 = arith.addf %mul3A_505, %mul3A_506 : vector<20x1024xf32>
    %add3A_508 = arith.addf %select_n3A_463, %add3A_507 : vector<20x1024xf32>
    %sub3A_509 = arith.subf %add3A_504, %select_n3A_455 : vector<20x1024xf32>
    %sub3A_510 = arith.subf %add3A_508, %select_n3A_463 : vector<20x1024xf32>
    %div3A_511 = arith.divf %sub3A_509, %sqrt3A : vector<20x1024xf32>
    %mul3A_512 = arith.mulf %div3A_492, %div3A_511 : vector<20x1024xf32>
    %sub3A_513 = arith.subf %sub3A_510, %mul3A_512 : vector<20x1024xf32>
    %div3A_514 = arith.divf %sub3A_513, %sqrt3A_496 : vector<20x1024xf32>
    %mul3A_515 = arith.mulf %div3A_511, %div3A_511 : vector<20x1024xf32>
    %mul3A_516 = arith.mulf %div3A_514, %div3A_514 : vector<20x1024xf32>
    %add3A_517 = arith.addf %mul3A_515, %mul3A_516 : vector<20x1024xf32>
    %mul3A_518 = arith.constant -5.000000e-01 : f32
    %mul3A_519 = vector.broadcast %mul3A_518 : f32 to vector<20x1024xf32>
    %mul3A_520 = arith.mulf %mul3A_519, %add3A_517 : vector<20x1024xf32>
    %log3A_521 = math.log %sqrt3A : vector<20x1024xf32>
    %sub3A_522 = arith.subf %mul3A_520, %log3A_521 : vector<20x1024xf32>
    %log3A_523 = math.log %sqrt3A_496 : vector<20x1024xf32>
    %sub3A_524 = arith.subf %sub3A_522, %log3A_523 : vector<20x1024xf32>
    %log3A_525 = arith.constant 6.28318548 : f32
    %log3A_526 = math.log %log3A_525 : f32
    %sub3A_527 = vector.broadcast %log3A_526 : f32 to vector<20x1024xf32>
    %sub3A_528 = arith.subf %sub3A_524, %sub3A_527 : vector<20x1024xf32>
    %tanh3A_529 = math.tanh %add3A_504 : vector<20x1024xf32>
    %tanh3A_530 = math.tanh %add3A_508 : vector<20x1024xf32>
    %add3A_531 = arith.constant 1.000000e+00 : f32
    %add3A_532 = vector.broadcast %add3A_531 : f32 to vector<20x1024xf32>
    %add3A_533 = arith.addf %tanh3A_529, %add3A_532 : vector<20x1024xf32>
    %mul3A_534 = arith.constant 2.240000e+02 : f32
    %mul3A_535 = vector.broadcast %mul3A_534 : f32 to vector<20x1024xf32>
    %mul3A_536 = arith.mulf %add3A_533, %mul3A_535 : vector<20x1024xf32>
    %mul3A_537 = arith.constant 5.000000e-01 : f32
    %mul3A_538 = vector.broadcast %mul3A_537 : f32 to vector<20x1024xf32>
    %mul3A_539 = arith.mulf %mul3A_538, %mul3A_536 : vector<20x1024xf32>
    %sub3A_540 = arith.constant 1.000000e-01 : f32
    %sub3A_541 = vector.broadcast %sub3A_540 : f32 to vector<20x1024xf32>
    %sub3A_542 = arith.subf %mul3A_539, %sub3A_541 : vector<20x1024xf32>
    %convert_element_type3A = arith.fptosi %sub3A_542 : vector<20x1024xf32> to vector<20x1024xi32>
    %add3A_543 = arith.constant 1.000000e+00 : f32
    %add3A_544 = vector.broadcast %add3A_543 : f32 to vector<20x1024xf32>
    %add3A_545 = arith.addf %tanh3A_530, %add3A_544 : vector<20x1024xf32>
    %mul3A_546 = arith.constant 2.240000e+02 : f32
    %mul3A_547 = vector.broadcast %mul3A_546 : f32 to vector<20x1024xf32>
    %mul3A_548 = arith.mulf %add3A_545, %mul3A_547 : vector<20x1024xf32>
    %mul3A_549 = arith.constant 5.000000e-01 : f32
    %mul3A_550 = vector.broadcast %mul3A_549 : f32 to vector<20x1024xf32>
    %mul3A_551 = arith.mulf %mul3A_550, %mul3A_548 : vector<20x1024xf32>
    %sub3A_552 = arith.constant 1.000000e-01 : f32
    %sub3A_553 = vector.broadcast %sub3A_552 : f32 to vector<20x1024xf32>
    %sub3A_554 = arith.subf %mul3A_551, %sub3A_553 : vector<20x1024xf32>
    %convert_element_type3A_555 = arith.fptosi %sub3A_554 : vector<20x1024xf32> to vector<20x1024xi32>
    %iota3A = tpu.iota {dimensions = array<i32: 1>} : vector<20x1024xi32>
    %mul3A_556 = arith.constant 50176 : i32
    %mul3A_557 = vector.broadcast %mul3A_556 : i32 to vector<20x1024xi32>
    %mul3A_558 = arith.muli %iota3A, %mul3A_557 : vector<20x1024xi32>
    %mul3A_559 = arith.constant 224 : i32
    %mul3A_560 = vector.broadcast %mul3A_559 : i32 to vector<20x1024xi32>
    %mul3A_561 = arith.muli %convert_element_type3A, %mul3A_560 : vector<20x1024xi32>
    %add3A_562 = arith.addi %mul3A_558, %mul3A_561 : vector<20x1024xi32>
    %add3A_563 = arith.addi %add3A_562, %convert_element_type3A_555 : vector<20x1024xi32>
    %swap3A = arith.constant 0 : index
    %swap3A_564 = arith.constant 0 : index
    %swap3A_565 = vector.load %arg9[%swap3A, %swap3A_564] : memref<20x1024xi32, #tpu.memory_space<vmem>>, vector<20x1024xi32>
    tpu.vector_store %arg9[%swap3A, %swap3A_564], %add3A_563 {strides = array<i32>} : memref<20x1024xi32, #tpu.memory_space<vmem>>, vector<20x1024xi32>,
    %swap3A_566 = arith.constant 0 : index
    %swap3A_567 = arith.constant 0 : index
    %swap3A_568 = vector.load %arg10[%swap3A_566, %swap3A_567] : memref<20x1024xf32, #tpu.memory_space<vmem>>, vector<20x1024xf32>
    tpu.vector_store %arg10[%swap3A_566, %swap3A_567], %tanh3A_529 {strides = array<i32>} : memref<20x1024xf32, #tpu.memory_space<vmem>>, vector<20x1024xf32>,
    %swap3A_569 = arith.constant 0 : index
    %swap3A_570 = arith.constant 0 : index
    %swap3A_571 = vector.load %arg11[%swap3A_569, %swap3A_570] : memref<20x1024xf32, #tpu.memory_space<vmem>>, vector<20x1024xf32>
    tpu.vector_store %arg11[%swap3A_569, %swap3A_570], %tanh3A_530 {strides = array<i32>} : memref<20x1024xf32, #tpu.memory_space<vmem>>, vector<20x1024xf32>,
    %reduce_sum3A_572 = arith.constant dense<0.000000e+00> : vector<1024xf32>
    %reduce_sum3A_573 = vector.multi_reduction <add>, %sub3A_528, %reduce_sum3A_572 [0] : vector<20x1024xf32> to vector<1024xf32>
    %broadcast_in_dim3A_574 = vector.shape_cast %reduce_sum3A_573 : vector<1024xf32> to vector<1x1024xf32>
    %swap3A_575 = arith.constant 0 : index
    %swap3A_576 = arith.constant 0 : index
    %swap3A_577 = vector.load %arg12[%swap3A_575, %swap3A_576] : memref<1x1024xf32, #tpu.memory_space<vmem>>, vector<1x1024xf32>
    tpu.vector_store %arg12[%swap3A_575, %swap3A_576], %broadcast_in_dim3A_574 {strides = array<i32>} : memref<1x1024xf32, #tpu.memory_space<vmem>>, vector<1x1024xf32>,
    return
  }
}

module attributes {stable_mosaic.version = 14 : i64} {
  func.func @_head_body(%arg0: memref<1024x20xf32, #tpu.memory_space<vmem>>, %arg1: memref<1024x20xf32, #tpu.memory_space<vmem>>, %arg2: memref<1024x20xf32, #tpu.memory_space<vmem>>, %arg3: memref<3x100xf32, #tpu.memory_space<vmem>>, %arg4: memref<1x100xf32, #tpu.memory_space<vmem>>, %arg5: memref<100x10xf32, #tpu.memory_space<vmem>>, %arg6: memref<1x10xf32, #tpu.memory_space<vmem>>, %arg7: memref<10x20x10xf32, #tpu.memory_space<vmem>>, %arg8: memref<1x10xf32, #tpu.memory_space<vmem>>, %arg9: memref<1024x10xf32, #tpu.memory_space<vmem>>) attributes {dimension_semantics = [], scalar_prefetch = 0 : i64, scratch_operands = 0 : i64, tpu.core_type = #tpu.core_type<tc>} {
    %get3A = arith.constant 0 : index
    %get3A_0 = arith.constant 0 : index
    %get3A_1 = vector.load %arg0[%get3A, %get3A_0] : memref<1024x20xf32, #tpu.memory_space<vmem>>, vector<1024x20xf32>
    %reduce_sum3A = arith.constant dense<0.000000e+00> : vector<1024xf32>
    %reduce_sum3A_2 = vector.multi_reduction <add>, %get3A_1, %reduce_sum3A [1] : vector<1024x20xf32> to vector<1024xf32>
    %get3A_3 = arith.constant 0 : index
    %get3A_4 = arith.constant 0 : index
    %get3A_5 = vector.load %arg1[%get3A_3, %get3A_4] : memref<1024x20xf32, #tpu.memory_space<vmem>>, vector<1024x20xf32>
    %reduce_sum3A_6 = arith.constant dense<0.000000e+00> : vector<1024xf32>
    %reduce_sum3A_7 = vector.multi_reduction <add>, %get3A_5, %reduce_sum3A_6 [1] : vector<1024x20xf32> to vector<1024xf32>
    %get3A_8 = arith.constant 0 : index
    %get3A_9 = arith.constant 0 : index
    %get3A_10 = vector.load %arg2[%get3A_8, %get3A_9] : memref<1024x20xf32, #tpu.memory_space<vmem>>, vector<1024x20xf32>
    %reduce_sum3A_11 = arith.constant dense<0.000000e+00> : vector<1024xf32>
    %reduce_sum3A_12 = vector.multi_reduction <add>, %get3A_10, %reduce_sum3A_11 [1] : vector<1024x20xf32> to vector<1024xf32>
    %get3A_13 = arith.constant 0 : index
    %get3A_14 = arith.constant 0 : index
    %get3A_15 = vector.load %arg3[%get3A_13, %get3A_14] : memref<3x100xf32, #tpu.memory_space<vmem>>, vector<3x100xf32>
    %broadcast_in_dim3A = vector.shape_cast %reduce_sum3A_2 : vector<1024xf32> to vector<1024x1xf32>
    %slice3A = vector.extract_strided_slice %get3A_15 {offsets = [0, 0], sizes = [1, 100], strides = [1, 1]} : vector<3x100xf32> to vector<1x100xf32>
    %squeeze3A = vector.shape_cast %slice3A : vector<1x100xf32> to vector<100xf32>
    %broadcast_in_dim3A_16 = vector.shape_cast %squeeze3A : vector<100xf32> to vector<1x100xf32>
    %mul3A = vector.broadcast %broadcast_in_dim3A : vector<1024x1xf32> to vector<1024x100xf32>
    %mul3A_17 = vector.broadcast %broadcast_in_dim3A_16 : vector<1x100xf32> to vector<1024x100xf32>
    %mul3A_18 = arith.mulf %mul3A, %mul3A_17 : vector<1024x100xf32>
    %broadcast_in_dim3A_19 = vector.shape_cast %reduce_sum3A_7 : vector<1024xf32> to vector<1024x1xf32>
    %slice3A_20 = vector.extract_strided_slice %get3A_15 {offsets = [1, 0], sizes = [1, 100], strides = [1, 1]} : vector<3x100xf32> to vector<1x100xf32>
    %squeeze3A_21 = vector.shape_cast %slice3A_20 : vector<1x100xf32> to vector<100xf32>
    %broadcast_in_dim3A_22 = vector.shape_cast %squeeze3A_21 : vector<100xf32> to vector<1x100xf32>
    %mul3A_23 = vector.broadcast %broadcast_in_dim3A_19 : vector<1024x1xf32> to vector<1024x100xf32>
    %mul3A_24 = vector.broadcast %broadcast_in_dim3A_22 : vector<1x100xf32> to vector<1024x100xf32>
    %mul3A_25 = arith.mulf %mul3A_23, %mul3A_24 : vector<1024x100xf32>
    %add3A = arith.addf %mul3A_18, %mul3A_25 : vector<1024x100xf32>
    %broadcast_in_dim3A_26 = vector.shape_cast %reduce_sum3A_12 : vector<1024xf32> to vector<1024x1xf32>
    %slice3A_27 = vector.extract_strided_slice %get3A_15 {offsets = [2, 0], sizes = [1, 100], strides = [1, 1]} : vector<3x100xf32> to vector<1x100xf32>
    %squeeze3A_28 = vector.shape_cast %slice3A_27 : vector<1x100xf32> to vector<100xf32>
    %broadcast_in_dim3A_29 = vector.shape_cast %squeeze3A_28 : vector<100xf32> to vector<1x100xf32>
    %mul3A_30 = vector.broadcast %broadcast_in_dim3A_26 : vector<1024x1xf32> to vector<1024x100xf32>
    %mul3A_31 = vector.broadcast %broadcast_in_dim3A_29 : vector<1x100xf32> to vector<1024x100xf32>
    %mul3A_32 = arith.mulf %mul3A_30, %mul3A_31 : vector<1024x100xf32>
    %add3A_33 = arith.addf %add3A, %mul3A_32 : vector<1024x100xf32>
    %get3A_34 = arith.constant 0 : index
    %get3A_35 = arith.constant 0 : index
    %get3A_36 = vector.load %arg4[%get3A_34, %get3A_35] : memref<1x100xf32, #tpu.memory_space<vmem>>, vector<1x100xf32>
    %add3A_37 = vector.broadcast %get3A_36 : vector<1x100xf32> to vector<1024x100xf32>
    %add3A_38 = arith.addf %add3A_33, %add3A_37 : vector<1024x100xf32>
    %max3A = arith.constant 0.000000e+00 : f32
    %max3A_39 = vector.broadcast %max3A : f32 to vector<1024x100xf32>
    %max3A_40 = arith.maximumf %add3A_38, %max3A_39 : vector<1024x100xf32>
    %get3A_41 = arith.constant 0 : index
    %get3A_42 = arith.constant 0 : index
    %get3A_43 = vector.load %arg5[%get3A_41, %get3A_42] : memref<100x10xf32, #tpu.memory_space<vmem>>, vector<100x10xf32>
    %dot_general3A = arith.constant dense<0.000000e+00> : vector<1024x10xf32>
    %dot_general3A_44 = tpu.matmul %max3A_40, %get3A_43, %dot_general3A {dimension_numbers = #tpu.dot_dimension_numbers<[1], [0], [0], [1], [0, 0, 1, 1], [], []>, transpose_lhs_hint = false} : vector<1024x100xf32>, vector<100x10xf32>, vector<1024x10xf32> -> vector<1024x10xf32>
    %mul3A_45 = arith.constant 2.000000e+01 : f32
    %mul3A_46 = vector.broadcast %mul3A_45 : f32 to vector<1024x10xf32>
    %mul3A_47 = arith.mulf %mul3A_46, %dot_general3A_44 : vector<1024x10xf32>
    %get3A_48 = arith.constant 0 : index
    %get3A_49 = arith.constant 0 : index
    %get3A_50 = vector.load %arg6[%get3A_48, %get3A_49] : memref<1x10xf32, #tpu.memory_space<vmem>>, vector<1x10xf32>
    %add3A_51 = vector.broadcast %get3A_50 : vector<1x10xf32> to vector<1024x10xf32>
    %add3A_52 = arith.addf %mul3A_47, %add3A_51 : vector<1024x10xf32>
    %reduce_max3A = arith.constant dense<0xFF800000> : vector<10xf32>
    %reduce_max3A_53 = vector.multi_reduction <maximumf>, %add3A_52, %reduce_max3A [0] : vector<1024x10xf32> to vector<10xf32>
    %broadcast_in_dim3A_54 = vector.shape_cast %reduce_max3A_53 : vector<10xf32> to vector<1x10xf32>
    %sub3A = vector.broadcast %broadcast_in_dim3A_54 : vector<1x10xf32> to vector<1024x10xf32>
    %sub3A_55 = arith.subf %add3A_52, %sub3A : vector<1024x10xf32>
    %exp3A = math.exp %sub3A_55 : vector<1024x10xf32>
    %reduce_sum3A_56 = arith.constant dense<0.000000e+00> : vector<10xf32>
    %reduce_sum3A_57 = vector.multi_reduction <add>, %exp3A, %reduce_sum3A_56 [0] : vector<1024x10xf32> to vector<10xf32>
    %broadcast_in_dim3A_58 = vector.shape_cast %reduce_sum3A_57 : vector<10xf32> to vector<1x10xf32>
    %log3A = math.log %broadcast_in_dim3A_58 : vector<1x10xf32>
    %sub3A_59 = vector.broadcast %log3A : vector<1x10xf32> to vector<1024x10xf32>
    %sub3A_60 = arith.subf %sub3A_55, %sub3A_59 : vector<1024x10xf32>
    %get3A_61 = arith.constant 0 : index
    %get3A_62 = arith.constant 0 : index
    %get3A_63 = arith.constant 0 : index
    %get3A_64 = vector.load %arg7[%get3A_61, %get3A_62, %get3A_63] : memref<10x20x10xf32, #tpu.memory_space<vmem>>, vector<10x20x10xf32>
    %broadcast_in_dim3A_65 = arith.constant 0.000000e+00 : f32
    %broadcast_in_dim3A_66 = vector.broadcast %broadcast_in_dim3A_65 : f32 to vector<10x10xf32>
    %slice3A_67 = vector.extract_strided_slice %get3A_64 {offsets = [0, 0, 0], sizes = [10, 1, 10], strides = [1, 1, 1]} : vector<10x20x10xf32> to vector<10x1x10xf32>
    %squeeze3A_68 = vector.shape_cast %slice3A_67 : vector<10x1x10xf32> to vector<10x10xf32>
    %add3A_69 = arith.addf %broadcast_in_dim3A_66, %squeeze3A_68 : vector<10x10xf32>
    %slice3A_70 = vector.extract_strided_slice %get3A_64 {offsets = [0, 1, 0], sizes = [10, 1, 10], strides = [1, 1, 1]} : vector<10x20x10xf32> to vector<10x1x10xf32>
    %squeeze3A_71 = vector.shape_cast %slice3A_70 : vector<10x1x10xf32> to vector<10x10xf32>
    %add3A_72 = arith.addf %add3A_69, %squeeze3A_71 : vector<10x10xf32>
    %slice3A_73 = vector.extract_strided_slice %get3A_64 {offsets = [0, 2, 0], sizes = [10, 1, 10], strides = [1, 1, 1]} : vector<10x20x10xf32> to vector<10x1x10xf32>
    %squeeze3A_74 = vector.shape_cast %slice3A_73 : vector<10x1x10xf32> to vector<10x10xf32>
    %add3A_75 = arith.addf %add3A_72, %squeeze3A_74 : vector<10x10xf32>
    %slice3A_76 = vector.extract_strided_slice %get3A_64 {offsets = [0, 3, 0], sizes = [10, 1, 10], strides = [1, 1, 1]} : vector<10x20x10xf32> to vector<10x1x10xf32>
    %squeeze3A_77 = vector.shape_cast %slice3A_76 : vector<10x1x10xf32> to vector<10x10xf32>
    %add3A_78 = arith.addf %add3A_75, %squeeze3A_77 : vector<10x10xf32>
    %slice3A_79 = vector.extract_strided_slice %get3A_64 {offsets = [0, 4, 0], sizes = [10, 1, 10], strides = [1, 1, 1]} : vector<10x20x10xf32> to vector<10x1x10xf32>
    %squeeze3A_80 = vector.shape_cast %slice3A_79 : vector<10x1x10xf32> to vector<10x10xf32>
    %add3A_81 = arith.addf %add3A_78, %squeeze3A_80 : vector<10x10xf32>
    %slice3A_82 = vector.extract_strided_slice %get3A_64 {offsets = [0, 5, 0], sizes = [10, 1, 10], strides = [1, 1, 1]} : vector<10x20x10xf32> to vector<10x1x10xf32>
    %squeeze3A_83 = vector.shape_cast %slice3A_82 : vector<10x1x10xf32> to vector<10x10xf32>
    %add3A_84 = arith.addf %add3A_81, %squeeze3A_83 : vector<10x10xf32>
    %slice3A_85 = vector.extract_strided_slice %get3A_64 {offsets = [0, 6, 0], sizes = [10, 1, 10], strides = [1, 1, 1]} : vector<10x20x10xf32> to vector<10x1x10xf32>
    %squeeze3A_86 = vector.shape_cast %slice3A_85 : vector<10x1x10xf32> to vector<10x10xf32>
    %add3A_87 = arith.addf %add3A_84, %squeeze3A_86 : vector<10x10xf32>
    %slice3A_88 = vector.extract_strided_slice %get3A_64 {offsets = [0, 7, 0], sizes = [10, 1, 10], strides = [1, 1, 1]} : vector<10x20x10xf32> to vector<10x1x10xf32>
    %squeeze3A_89 = vector.shape_cast %slice3A_88 : vector<10x1x10xf32> to vector<10x10xf32>
    %add3A_90 = arith.addf %add3A_87, %squeeze3A_89 : vector<10x10xf32>
    %slice3A_91 = vector.extract_strided_slice %get3A_64 {offsets = [0, 8, 0], sizes = [10, 1, 10], strides = [1, 1, 1]} : vector<10x20x10xf32> to vector<10x1x10xf32>
    %squeeze3A_92 = vector.shape_cast %slice3A_91 : vector<10x1x10xf32> to vector<10x10xf32>
    %add3A_93 = arith.addf %add3A_90, %squeeze3A_92 : vector<10x10xf32>
    %slice3A_94 = vector.extract_strided_slice %get3A_64 {offsets = [0, 9, 0], sizes = [10, 1, 10], strides = [1, 1, 1]} : vector<10x20x10xf32> to vector<10x1x10xf32>
    %squeeze3A_95 = vector.shape_cast %slice3A_94 : vector<10x1x10xf32> to vector<10x10xf32>
    %add3A_96 = arith.addf %add3A_93, %squeeze3A_95 : vector<10x10xf32>
    %slice3A_97 = vector.extract_strided_slice %get3A_64 {offsets = [0, 10, 0], sizes = [10, 1, 10], strides = [1, 1, 1]} : vector<10x20x10xf32> to vector<10x1x10xf32>
    %squeeze3A_98 = vector.shape_cast %slice3A_97 : vector<10x1x10xf32> to vector<10x10xf32>
    %add3A_99 = arith.addf %add3A_96, %squeeze3A_98 : vector<10x10xf32>
    %slice3A_100 = vector.extract_strided_slice %get3A_64 {offsets = [0, 11, 0], sizes = [10, 1, 10], strides = [1, 1, 1]} : vector<10x20x10xf32> to vector<10x1x10xf32>
    %squeeze3A_101 = vector.shape_cast %slice3A_100 : vector<10x1x10xf32> to vector<10x10xf32>
    %add3A_102 = arith.addf %add3A_99, %squeeze3A_101 : vector<10x10xf32>
    %slice3A_103 = vector.extract_strided_slice %get3A_64 {offsets = [0, 12, 0], sizes = [10, 1, 10], strides = [1, 1, 1]} : vector<10x20x10xf32> to vector<10x1x10xf32>
    %squeeze3A_104 = vector.shape_cast %slice3A_103 : vector<10x1x10xf32> to vector<10x10xf32>
    %add3A_105 = arith.addf %add3A_102, %squeeze3A_104 : vector<10x10xf32>
    %slice3A_106 = vector.extract_strided_slice %get3A_64 {offsets = [0, 13, 0], sizes = [10, 1, 10], strides = [1, 1, 1]} : vector<10x20x10xf32> to vector<10x1x10xf32>
    %squeeze3A_107 = vector.shape_cast %slice3A_106 : vector<10x1x10xf32> to vector<10x10xf32>
    %add3A_108 = arith.addf %add3A_105, %squeeze3A_107 : vector<10x10xf32>
    %slice3A_109 = vector.extract_strided_slice %get3A_64 {offsets = [0, 14, 0], sizes = [10, 1, 10], strides = [1, 1, 1]} : vector<10x20x10xf32> to vector<10x1x10xf32>
    %squeeze3A_110 = vector.shape_cast %slice3A_109 : vector<10x1x10xf32> to vector<10x10xf32>
    %add3A_111 = arith.addf %add3A_108, %squeeze3A_110 : vector<10x10xf32>
    %slice3A_112 = vector.extract_strided_slice %get3A_64 {offsets = [0, 15, 0], sizes = [10, 1, 10], strides = [1, 1, 1]} : vector<10x20x10xf32> to vector<10x1x10xf32>
    %squeeze3A_113 = vector.shape_cast %slice3A_112 : vector<10x1x10xf32> to vector<10x10xf32>
    %add3A_114 = arith.addf %add3A_111, %squeeze3A_113 : vector<10x10xf32>
    %slice3A_115 = vector.extract_strided_slice %get3A_64 {offsets = [0, 16, 0], sizes = [10, 1, 10], strides = [1, 1, 1]} : vector<10x20x10xf32> to vector<10x1x10xf32>
    %squeeze3A_116 = vector.shape_cast %slice3A_115 : vector<10x1x10xf32> to vector<10x10xf32>
    %add3A_117 = arith.addf %add3A_114, %squeeze3A_116 : vector<10x10xf32>
    %slice3A_118 = vector.extract_strided_slice %get3A_64 {offsets = [0, 17, 0], sizes = [10, 1, 10], strides = [1, 1, 1]} : vector<10x20x10xf32> to vector<10x1x10xf32>
    %squeeze3A_119 = vector.shape_cast %slice3A_118 : vector<10x1x10xf32> to vector<10x10xf32>
    %add3A_120 = arith.addf %add3A_117, %squeeze3A_119 : vector<10x10xf32>
    %slice3A_121 = vector.extract_strided_slice %get3A_64 {offsets = [0, 18, 0], sizes = [10, 1, 10], strides = [1, 1, 1]} : vector<10x20x10xf32> to vector<10x1x10xf32>
    %squeeze3A_122 = vector.shape_cast %slice3A_121 : vector<10x1x10xf32> to vector<10x10xf32>
    %add3A_123 = arith.addf %add3A_120, %squeeze3A_122 : vector<10x10xf32>
    %slice3A_124 = vector.extract_strided_slice %get3A_64 {offsets = [0, 19, 0], sizes = [10, 1, 10], strides = [1, 1, 1]} : vector<10x20x10xf32> to vector<10x1x10xf32>
    %squeeze3A_125 = vector.shape_cast %slice3A_124 : vector<10x1x10xf32> to vector<10x10xf32>
    %add3A_126 = arith.addf %add3A_123, %squeeze3A_125 : vector<10x10xf32>
    %dot_general3A_127 = arith.constant dense<0.000000e+00> : vector<1024x10xf32>
    %dot_general3A_128 = tpu.matmul %sub3A_60, %add3A_126, %dot_general3A_127 {dimension_numbers = #tpu.dot_dimension_numbers<[1], [1], [0], [0], [0, 0, 1, 0], [], []>, transpose_lhs_hint = false} : vector<1024x10xf32>, vector<10x10xf32>, vector<1024x10xf32> -> vector<1024x10xf32>
    %get3A_129 = arith.constant 0 : index
    %get3A_130 = arith.constant 0 : index
    %get3A_131 = vector.load %arg8[%get3A_129, %get3A_130] : memref<1x10xf32, #tpu.memory_space<vmem>>, vector<1x10xf32>
    %add3A_132 = vector.broadcast %get3A_131 : vector<1x10xf32> to vector<1024x10xf32>
    %add3A_133 = arith.addf %dot_general3A_128, %add3A_132 : vector<1024x10xf32>
    %reduce_max3A_134 = arith.constant dense<0xFF800000> : vector<1024xf32>
    %reduce_max3A_135 = vector.multi_reduction <maximumf>, %add3A_133, %reduce_max3A_134 [1] : vector<1024x10xf32> to vector<1024xf32>
    %broadcast_in_dim3A_136 = vector.shape_cast %reduce_max3A_135 : vector<1024xf32> to vector<1024x1xf32>
    %sub3A_137 = vector.broadcast %broadcast_in_dim3A_136 : vector<1024x1xf32> to vector<1024x10xf32>
    %sub3A_138 = arith.subf %add3A_133, %sub3A_137 : vector<1024x10xf32>
    %exp3A_139 = math.exp %sub3A_138 : vector<1024x10xf32>
    %reduce_sum3A_140 = arith.constant dense<0.000000e+00> : vector<1024xf32>
    %reduce_sum3A_141 = vector.multi_reduction <add>, %exp3A_139, %reduce_sum3A_140 [1] : vector<1024x10xf32> to vector<1024xf32>
    %broadcast_in_dim3A_142 = vector.shape_cast %reduce_sum3A_141 : vector<1024xf32> to vector<1024x1xf32>
    %div3A = vector.broadcast %broadcast_in_dim3A_142 : vector<1024x1xf32> to vector<1024x10xf32>
    %div3A_143 = arith.divf %exp3A_139, %div3A : vector<1024x10xf32>
    %swap3A = arith.constant 0 : index
    %swap3A_144 = arith.constant 0 : index
    %swap3A_145 = vector.load %arg9[%swap3A, %swap3A_144] : memref<1024x10xf32, #tpu.memory_space<vmem>>, vector<1024x10xf32>
    tpu.vector_store %arg9[%swap3A, %swap3A_144], %div3A_143 {strides = array<i32>} : memref<1024x10xf32, #tpu.memory_space<vmem>>, vector<1024x10xf32>,
    return
  }
}

</mosaic_0001>

<sc_bundles>
// kernel: kernel.5.cloned.1.call-start
scs
__scs_entry_jumppad:
0x0: {  	(pc) =	sbr.rel $0x88, $3  }
0x1: {  	(tag) =	ssettag $0x0;
	lr =	simm.s32 $0x1  }
0x2: {  	[smem:$0x3F99] =	sst lr;
	_ =	strace $0xD0000000  }
0x3: {  	_ = 	snop  }
0x4: {  	_ = 	snop  }
0x5: {  	_ = 	snop  }
0x6: {  	_ = 	snop  }
0x7: {  	_ = 	snop  }
__scs_overlays_trampoline_lowered:
0x8: {  	[smem:$0x3FA8] =	sst s0  }
0x9: {  	[smem:$0x3FA9] =	sst s1  }
0xa: {  	[smem:$0x3FAA] =	sst s2  }
0xb: {  	[smem:$0x3FAB] =	sst s3  }
0xc: {  	[smem:$0x3FAC] =	sst s4  }
0xd: {  	[smem:$0x3FAD] =	sst s5  }
0xe: {  	[smem:$0x3FAE] =	sst s6  }
0xf: {  	[smem:$0x3FAF] =	sst s7  }
0x10: {  	[smem:$0x3FB0] =	sst s8  }
0x11: {  	[smem:$0x3FB1] =	sst s9;
	s0 =	simm.s32 @!p0 $0x0  }
0x12: {  	s1 =	sld [smem:$0x3F97];
	s0 =	simm.s32 @p0 $0x1  }
0x13: {  	[smem:$0x3FB2] =	sst s0;
	s0 =	simm.s32 @!p1 $0x0  }
0x14: {  	s2 =	sld [smem:$0x3F96];
	s0 =	simm.s32 @p1 $0x1  }
0x15: {  	[smem:$0x3FB3] =	sst s0;
	s0 =	simm.s32 @!p2 $0x0  }
0x16: {  	s3 =	sld [smem:$0x3FDB];
	s0 =	simm.s32 @p2 $0x1  }
0x17: {  	s4 =	simm.s32 $0x1BF5;
	[smem:$0x3FB5] =	sst s0  }
0x18: {  	s0 =	sld [smem:$0x3F98];
	_ =	swait.ge [sflag:s4], $0x0  }
0x19: {  	s7 =	sld [smem:$0x3F99]  }
0x1a: {  	s8 =	sadd.s32 $0xFFFFE003, lr  }
0x1b: {  	s9 =	sadd.s32 $0xFFFFFEF7, lr;
	s5 =	simm.s32 $0xFFFFFFFF;
	p2 =	slt.u32 s8, $0xFFFFF086  }
0x1c: {  	p1 =	slt.u32 s9, $0xF7A;
	s5 =	simm.s32 @!p2 $0x0  }
0x1d: {  	s5 =	simm.s32 @p1 $0x1;
	p0 =	seq.s32 s7, s2  }
0x1e: {  	s7 =	smul.u32 @!p0 $0xF7A, s2;
	p2 =	seq.s32 @!p0 s5, $0x0  }
0x1f: {  	s9 =	smul.u32 $0xF7A, s1;
	s8 =	simm.s32 @!p0 $0x1BF5;
	p2 =	por !p2, p0  }
0x20: {  	[sflag:s8] =	ssyncset.s32 @!p0 $0xFFFFF086;
	s6 =	sadd.s32 @!p0 s3, s7;
	s7 =	simm.s32 @!p0 $0x108  }
0x21: {  	s3 =	sadd.s32 s3, s9;
	s6 =	sadd.s32 @!p0 $0x88, s6;
	s7 =	simm.s32 @p2 $0x1082  }
0x22: {  	[simem:s7], [sflag:s8] =	dma.local @!p0 [hbm:s6], $0xF7A  }
0x23: {  	s9 =	sor.u32 $0xD0000000, s2;
	s6 =	simm.s32 $0x108;
	_ =	swait.ge @!p0 [sflag:s8], $0x0  }
0x24: {  	s3 =	sadd.s32 $0x88, s3;
	s6 =	simm.s32 @!p1 $0x1082;
	[sflag:s4] =	ssyncset.s32 $0xFFFFF086  }
0x25: {  	[simem:s6], [sflag:s4] =	dma.local [hbm:s3], $0xF7A  }
0x26: {  	[smem:$0x3F99] =	sst s1;
	(tag) =	ssettag s2;
	_ =	strace s9  }
0x27: {  	s1 =	sld [smem:$0x3FA9]  }
0x28: {  	s2 =	sld [smem:$0x3FAA]  }
0x29: {  	s4 =	sld [smem:$0x3FAC]  }
0x2a: {  	p0 =	seq.s32 s5, $0x0;
	s5 =	sld [smem:$0x3FAD]  }
0x2b: {  	s6 =	sld [smem:$0x3FAE]  }
0x2c: {  	s7 =	sld [smem:$0x3FAF]  }
0x2d: {  	s3 =	simm.s32 $0x108;
	s8 =	sld [smem:$0x3FB0]  }
0x2e: {  	s3 =	simm.s32 @!p0 $0x1082;
	s9 =	sld [smem:$0x3FB1]  }
0x2f: {  	lr =	sadd.s32 s0, s3;
	s0 =	sld [smem:$0x3FA8]  }
0x30: {  	s3 =	sld [smem:$0x3FAB]  }
0x31: {  	[smem:$0x3FB4] =	sst s10  }
0x32: {  	s10 =	sld [smem:$0x3FB2];
	_ =	sdelay $0x3  }
0x33: {  	p0 =	seq.s32 s10, $0x1;
	s10 =	sld [smem:$0x3FB4];
	_ =	sdelay $0x3  }
0x34: {  	[smem:$0x3FB4] =	sst s10  }
0x35: {  	s10 =	sld [smem:$0x3FB3];
	_ =	sdelay $0x3  }
0x36: {  	p1 =	seq.s32 s10, $0x1;
	s10 =	sld [smem:$0x3FB4];
	_ =	sdelay $0x3  }
0x37: {  	[smem:$0x3FB4] =	sst s10  }
0x38: {  	s10 =	sld [smem:$0x3FB5]  }
0x39: {  	_ = 	snop;
	(pc) =	sbr.ind lr, $3  }
0x3a: {  	_ = 	snop  }
0x3b: {  	_ = 	snop  }
0x3c: {  	p2 =	seq.s32 s10, $0x1;
	s10 =	sld [smem:$0x3FB4]  }
0x3d: {  	_ =	shalt  }
0x3e: {  	_ =	shalt  }
0x3f: {  	_ =	shalt  }
0x40: {  	_ =	shalt  }
0x41: {  	_ =	shalt  }
0x42: {  	_ =	shalt  }
0x43: {  	_ =	shalt  }
0x44: {  	_ =	shalt  }
0x45: {  	_ =	shalt  }
0x46: {  	_ =	shalt  }
0x47: {  	_ =	shalt  }
0x48: {  	_ =	shalt  }
0x49: {  	_ =	shalt  }
0x4a: {  	_ =	shalt  }
0x4b: {  	_ =	shalt  }
0x4c: {  	_ =	shalt  }
0x4d: {  	_ =	shalt  }
0x4e: {  	_ =	shalt  }
0x4f: {  	_ =	shalt  }
0x50: {  	_ =	shalt  }
0x51: {  	_ =	shalt  }
0x52: {  	_ =	shalt  }
0x53: {  	_ =	shalt  }
0x54: {  	_ =	shalt  }
0x55: {  	_ =	shalt  }
0x56: {  	_ =	shalt  }
0x57: {  	_ =	shalt  }
0x58: {  	_ =	shalt  }
0x59: {  	_ =	shalt  }
0x5a: {  	_ =	shalt  }
0x5b: {  	_ =	shalt  }
0x5c: {  	_ =	shalt  }
0x5d: {  	_ =	shalt  }
0x5e: {  	_ =	shalt  }
0x5f: {  	_ =	shalt  }
0x60: {  	_ =	shalt  }
0x61: {  	_ =	shalt  }
0x62: {  	_ =	shalt  }
0x63: {  	_ =	shalt  }
0x64: {  	_ =	shalt  }
0x65: {  	_ =	shalt  }
0x66: {  	_ =	shalt  }
0x67: {  	_ =	shalt  }
0x68: {  	_ =	shalt  }
0x69: {  	_ =	shalt  }
0x6a: {  	_ =	shalt  }
0x6b: {  	_ =	shalt  }
0x6c: {  	_ =	shalt  }
0x6d: {  	_ =	shalt  }
0x6e: {  	_ =	shalt  }
0x6f: {  	_ =	shalt  }
0x70: {  	_ =	shalt  }
0x71: {  	_ =	shalt  }
0x72: {  	_ =	shalt  }
0x73: {  	_ =	shalt  }
0x74: {  	_ =	shalt  }
0x75: {  	_ =	shalt  }
0x76: {  	_ =	shalt  }
0x77: {  	_ =	shalt  }
0x78: {  	_ =	shalt  }
0x79: {  	_ =	shalt  }
0x7a: {  	_ =	shalt  }
0x7b: {  	_ =	shalt  }
0x7c: {  	_ =	shalt  }
0x7d: {  	_ =	shalt  }
0x7e: {  	_ =	shalt  }
0x7f: {  	_ =	shalt  }
0x80: {  	_ =	shalt  }
0x81: {  	_ =	shalt  }
0x82: {  	_ =	shalt  }
0x83: {  	_ =	shalt  }
0x84: {  	_ =	shalt  }
0x85: {  	_ =	shalt  }
0x86: {  	_ =	shalt  }
0x87: {  	_ =	shalt  }
.Lfunc_end0:
.L_simem_size_0:
called_computation_lowered:
.L_overlay_start_0:
0x88: {  	s2 =	sld [smem:$0x3FD9]  }
0x89: {  	s3 =	sld [smem:$0x3FFE];
	_ =	sdelay $0x1  }
0x8a: {  	s1 =	srdreg.scid  }
0x8b: {  	s0 =	sand.u32 $0x1, s1  }
0x8c: {  	s16 =	sshll.u32 s0, $0xA;
	s2 =	sadd.s32 s3, s2  }
0x8d: {  	s2 =	sadd.s32 s2, s16  }
0x8e: {  	[smem:$0x3FC0] =	sst s2  }
0x8f: {  	_ = 	snop  }
0x90: {  	(tm) =	ssettm $0x1  }
0x91: {  	s17 =	sld [smem:$0x3FFB];
	_ =	sdelay $0x3  }
0x92: {  	_ =	strace s17  }
0x93: {  	s2 =	sld [smem:$0x3FFC];
	_ =	sdelay $0x3  }
0x94: {  	_ =	strace s2  }
0x95: {  	s2 =	sld [smem:$0x3FFD];
	_ =	sdelay $0x3  }
0x96: {  	_ =	strace s2  }
0x97: {  	_ =	strace $0x8FFFFFFF  }
0x98: {  	s18 =	sld [smem:$0x3FDB];
	_ =	sdelay $0x1  }
0x99: {  	s19 =	simm.s32 $_scs_section_size  }
0x9a: {  	s4 =	simm.s32 $_size__tile_overlayer_lowered;
	s5 =	simm.s32 $_tile_overlayer_lowered  }
0x9b: {  	s22 =	simm.s32 $0x1BFF;
	s21 =	sshll.u32 s5, $0x1;
	s2 =	sadd.s32 s19, s18  }
0x9c: {  	s6 =	simm.s32 $0x0;
	s20 =	sshll.u32 s4, $0x1;
	s4 =	sadd.s32 s21, s2  }
0x9d: {  	[timem:s6], [sflag:s22] =	dma.local [hbm:s4], s20  }
0x9e: {  	_ =	swait.ge [sflag:s22], s20  }
0x9f: {  	s3 =	ssub.s32 $0x0, s20;
	[sflag:s22] =	ssyncset.done $0x0  }
0xa0: {  	[sflag:s22] =	ssyncadd.s32 s3;
	_ =	sdelay $0x1  }
0xa1: {  	s23 =	simm.s32 $0x1B8B  }
0xa2: {  	_ =	swait.ge [sflag:s23], $0x1  }
0xa3: {  	[sflag:s23] =	ssyncset.done $0x0  }
0xa4: {  	s25 =	simm.s32 $0x1B8E;
	s24 =	sld [smem:$0x3FFE];
	[sflag:s23] =	ssyncadd.s32 $0xFFFFFFFF  }
0xa5: {  	s26 =	simm.s32 $execute0_lowered;
	[smem:$0x3FD2] =	sst s25  }
0xa6: {  	s4 =	sshll.u32 s26, $0x1;
	_ =	strace $0x80000046;
	[dreg:$0x1] =	wrdreg $0xFFFFFFFF  }
0xa7: {  	s28 =	simm.s32 $_size_execute0_lowered;
	s2 =	sadd.s32 s2, s4;
	[dreg:$0x0] =	wrdreg $0x0  }
0xa8: {  	s4 =	sshll.u32 s28, $0x1;
	[dreg:$0x2] =	wrdreg s2  }
0xa9: {  	[dreg:$0x3] =	wrdreg s4  }
0xaa: {  	[dreg:$0x4] =	wrdreg $0xC0  }
0xab: {  	_ =	task [dreg:s6], $0x5FFFF  }
0xac: {  	[dreg:$0x1] =	wrdreg $0xFFFFFFFF  }
0xad: {  	[dreg:$0x0] =	wrdreg $0x60  }
0xae: {  	[dreg:$0x2] =	wrdreg s24  }
0xaf: {  	[dreg:$0x3] =	wrdreg $0x9  }
0xb0: {  	_ =	task.clear_ibuf [dreg:s6], $0x4FFFF;
	_ =	strace $0x90000046  }
0xb1: {  	s29 =	simm.s32 $0x9;
	_ =	strace $0x80000048  }
0xb2: {  	_ =	swait.ge [sflag:s29], $0x1  }
0xb3: {  	[sflag:s29] =	ssyncadd.s32 $0xFFFFFFFF  }
0xb4: {  	_ =	strace $0x90000048  }
0xb5: {  	_ =	sfence  }
0xb6: {  	s30 =	sld [smem:$0x0];
	_ =	sdelay $0x2  }
0xb7: {  	s31 =	sshll.u32 s1, $0xD;
	s1 =	sshrl.u32 s1, $0x2  }
0xb8: {  	s3 =	sand.u32 $0x4000, s31;
	s1 =	sadd.s32 s1, s30  }
0xb9: {  	s0 =	sor.u32 s3, s0;
	s1 =	sshll.u32 s1, $0x11  }
0xba: {  	s0 =	sor.u32 s1, s0  }
0xbb: {  	s0 =	sadd.s32 $0x8F2B, s0  }
0xbc: {  	[sflag:s0] =	ssyncadd.remote.s32 $0x1  }
0xbd: {  	_ =	sfence.sel $0xFFFF  }
0xbe: {  	[dreg:$0x0] =	wrdreg $0xFFFFFFFF;
	(pc) =	sbr.abs _section_cstart, $3  }
0xbf: {  	[dreg:$0x1] =	wrdreg $0xFFFFFFFF  }
0xc0: {  	_ =	task.clear_ibuf [dreg:s6], $0x2FFFF;
	_ =	strace $0x9FFFFFFF  }
0xc1: {  	(tm) =	ssettm $0x7FFFFFFF  }
tec
execute0_lowered:
.L_overlay_start_1:
0x0: {  	(tag) =	ssettag $0x1  }
0x1: {  	s1 =	srdreg.scid  }
0x2: {  	s0 =	stileid.u32;
	s16 =	sand.u32 $0x1, s1  }
0x3: {  	s5 =	rddreg [dreg:$0x0];
	s3 =	sshll.u32 s0, $0x8;
	s4 =	sshll.u32 s16, $0x7  }
0x4: {  	s2 =	simm.s32 $0x0;
	s1 =	rddreg [dreg:$0x1];
	s3 =	sor.u32 s4, s3  }
0x5: {  	[smem:$0x7FF] =	sst s2;
	s17 =	sadd.s32 s3, s5  }
0x6: {  	_ =	strace $0x80000047;
	s3 =	simm.s32 $0x2;
	s4 =	sadd.s32 $0x6000, s17  }
0x7: {  	[tilespmem:s2], [sflag:$0x2] =	stream.linear.gather [hbm4b:s4+s2], $0x280, $0x38;
	[tilespmem:$0x800] =	vst v63  }
0x8: {  	_ =	swait.ge [sflag:s3], $0x280  }
0x9: {  	s6 =	simm.s32 $0x80;
	[sflag:s3] =	ssyncset.done $0x0  }
0xa: {  	s7 =	simm.s32 $0x400;
	s5 =	sadd.s32 $0x705C00, s5;
	[sflag:s3] =	ssyncadd.s32 $0xFFFFFD80  }
0xb: {  	[tilespmem:s7], [sflag:$0x1] =	stream.indirect.gather [hbm4b:s5+s6], $0x1, s2, s6, $0xb8;
	[tilespmem:$0x800] =	vst v63  }
0xc: {  	s8 =	simm.s32 $0x480  }
0xd: {  	[tilespmem:s8], [sflag:$0x1] =	stream.indirect.gather [hbm4b:s5+s6], $0x1, s6, s6, $0xb8;
	[tilespmem:$0x800] =	vst v63  }
0xe: {  	s9 =	simm.s32 $0x100;
	s10 =	simm.s32 $0x500  }
0xf: {  	[tilespmem:s10], [sflag:$0x1] =	stream.indirect.gather [hbm4b:s5+s6], $0x1, s9, s6, $0xb8;
	[tilespmem:$0x800] =	vst v63  }
0x10: {  	s11 =	simm.s32 $0x180;
	s12 =	simm.s32 $0x580  }
0x11: {  	[tilespmem:s12], [sflag:$0x1] =	stream.indirect.gather [hbm4b:s5+s6], $0x1, s11, s6, $0xb8;
	[tilespmem:$0x800] =	vst v63  }
0x12: {  	s13 =	simm.s32 $0x200;
	s14 =	simm.s32 $0x600;
	s15 =	simm.s32 $0x1  }
0x13: {  	[tilespmem:s14], [sflag:$0x1] =	stream.indirect.gather [hbm4b:s5+s6], $0x1, s13, s6, $0xb8;
	[tilespmem:$0x800] =	vst v63  }
0x14: {  	_ =	swait.ge [sflag:s15], $0x80  }
0x15: {  	[sflag:s15] =	ssyncset.done $0x0  }
0x16: {  	[sflag:s15] =	ssyncadd.s32 $0xFFFFFF80  }
0x17: {  	_ =	swait.ge [sflag:s15], $0x80  }
0x18: {  	[sflag:s15] =	ssyncset.done $0x0  }
0x19: {  	[sflag:s15] =	ssyncadd.s32 $0xFFFFFF80  }
0x1a: {  	_ =	swait.ge [sflag:s15], $0x80  }
0x1b: {  	[sflag:s15] =	ssyncset.done $0x0  }
0x1c: {  	s16 =	ssub.s32 $0x2, s16;
	[sflag:s15] =	ssyncadd.s32 $0xFFFFFF80  }
0x1d: {  	s18 =	sshrl.u32 s16, $0x1;
	_ =	swait.ge [sflag:s15], $0x80  }
0x1e: {  	s18 =	ssub.s32 s16, s18;
	[sflag:s15] =	ssyncset.done $0x0  }
0x1f: {  	s31 =	smax.u32 s18, $0x1;
	[sflag:s15] =	ssyncadd.s32 $0xFFFFFF80  }
0x20: {  	p0 =	sne.s32 s31, $0x1;
	_ =	swait.ge [sflag:s15], $0x80  }
.Ltmp0:
0x21: {  	[sflag:s15] =	ssyncset.done $0x0;
	(pc) =	sbr.rel @!p0 .LBB2_2-.Ltmp0, $4  }
0x22: {  	s16 =	sadd.s32 $0x7000, s17;
	[sflag:s15] =	ssyncadd.s32 $0xFFFFFF80  }
0x23: {  	[hbm4b:s16+s2] =	stream.linear.scatter [tilespmem:s7], [sflag:$0x2], $0x280, $0x38;
	[tilespmem:$0x800] =	vst v63  }
0x24: {  	_ =	swait.ge [sflag:s3], $0x280  }
0x25: {  	s17 =	sadd.s32 $0xFFFFFFFF, s31;
	[sflag:s3] =	ssyncset.done $0x0  }
.LBB2_1:
0x26: {  	p0 =	sne.s32 s17, $0x1;
	s17 =	sadd.s32 $0xFFFFFFFF, s17;
	[sflag:s3] =	ssyncadd.s32 $0xFFFFFD80  }
0x27: {  	[tilespmem:s2], [sflag:$0x2] =	stream.linear.gather [hbm4b:s4+s2], $0x280, $0x38;
	[tilespmem:$0x800] =	vst v63  }
0x28: {  	_ =	swait.ge [sflag:s3], $0x280  }
0x29: {  	[sflag:s3] =	ssyncset.done $0x0  }
0x2a: {  	[sflag:s3] =	ssyncadd.s32 $0xFFFFFD80  }
0x2b: {  	[tilespmem:s7], [sflag:$0x1] =	stream.indirect.gather [hbm4b:s5+s6], $0x1, s2, s6, $0xb8;
	[tilespmem:$0x800] =	vst v63  }
0x2c: {  	_ = 	snop  }
0x2d: {  	[tilespmem:s8], [sflag:$0x1] =	stream.indirect.gather [hbm4b:s5+s6], $0x1, s6, s6, $0xb8;
	[tilespmem:$0x800] =	vst v63  }
0x2e: {  	_ = 	snop  }
0x2f: {  	[tilespmem:s10], [sflag:$0x1] =	stream.indirect.gather [hbm4b:s5+s6], $0x1, s9, s6, $0xb8;
	[tilespmem:$0x800] =	vst v63  }
0x30: {  	_ = 	snop  }
0x31: {  	[tilespmem:s12], [sflag:$0x1] =	stream.indirect.gather [hbm4b:s5+s6], $0x1, s11, s6, $0xb8;
	[tilespmem:$0x800] =	vst v63  }
0x32: {  	_ = 	snop  }
0x33: {  	[tilespmem:s14], [sflag:$0x1] =	stream.indirect.gather [hbm4b:s5+s6], $0x1, s13, s6, $0xb8;
	[tilespmem:$0x800] =	vst v63  }
0x34: {  	_ =	swait.ge [sflag:s15], $0x80  }
0x35: {  	[sflag:s15] =	ssyncset.done $0x0  }
0x36: {  	[sflag:s15] =	ssyncadd.s32 $0xFFFFFF80  }
0x37: {  	_ =	swait.ge [sflag:s15], $0x80  }
0x38: {  	[sflag:s15] =	ssyncset.done $0x0  }
0x39: {  	[sflag:s15] =	ssyncadd.s32 $0xFFFFFF80  }
0x3a: {  	_ =	swait.ge [sflag:s15], $0x80  }
0x3b: {  	[sflag:s15] =	ssyncset.done $0x0  }
0x3c: {  	[sflag:s15] =	ssyncadd.s32 $0xFFFFFF80  }
0x3d: {  	_ =	swait.ge [sflag:s15], $0x80  }
0x3e: {  	[sflag:s15] =	ssyncset.done $0x0  }
0x3f: {  	[sflag:s15] =	ssyncadd.s32 $0xFFFFFF80  }
0x40: {  	_ =	swait.ge [sflag:s15], $0x80  }
.Ltmp1:
0x41: {  	[sflag:s15] =	ssyncset.done $0x0;
	(pc) =	sbr.rel @p0 .LBB2_1-.Ltmp1, $4  }
0x42: {  	[sflag:s15] =	ssyncadd.s32 $0xFFFFFF80  }
0x43: {  	[hbm4b:s16+s2] =	stream.linear.scatter [tilespmem:s7], [sflag:$0x2], $0x280, $0x38;
	[tilespmem:$0x800] =	vst v63  }
0x44: {  	_ =	swait.ge [sflag:s3], $0x280  }
0x45: {  	[sflag:s3] =	ssyncset.done $0x0  }
.LBB2_2:
0x46: {  	[sflag:s3] =	ssyncadd.s32 $0xFFFFFD80  }
0x47: {  	_ =	sfence.sel $0x180000  }
0x48: {  	[bflag:$0x0] =	sbarrier.arrive $0xFFFF  }
0x49: {  	p0 =	sne.s32 s0, $0x0;
	_ =	strace $0x90000047  }
0x4a: {  	s0 =	sadd.s32 @!p0 $0x100000, s1;
	[bflag:$0x2] =	sbarrier.arrive $0xFFFF  }
0x4b: {  	[sflag:s0] =	ssyncadd.tile.s32 @!p0 $0x1;
	_ =	shalt  }
.Lfunc_end2:
_tile_overlayer_lowered:
.L_overlay_start_2:
0x4c: {  	(tag) =	ssettag $0x2  }
0x4d: {  	s0 =	rddreg [dreg:$0x0];
	s2 =	stileid.u32  }
0x4e: {  	s1 =	rddreg [dreg:$0x1];
	p0 =	sne.s32 s2, $0x0  }
0x4f: {  	s3 =	rddreg [dreg:$0x2];
	[bflag:$0x3] =	sbarrier.arrive $0xFFFF;
	s2 =	simm.s32 @!p0 $0x1C02  }
0x50: {  	[timem:s3], [sflag:s2] =	dma.local @!p0 [hbm:s0], s1  }
0x51: {  	s0 =	simm.s32 @!p0 $0x2  }
0x52: {  	_ =	swait.ge @!p0 [sflag:s0], s1  }
0x53: {  	s1 =	ssub.s32 @!p0 $0x0, s1;
	[sflag:s0] =	ssyncset.done @!p0 $0x0  }
0x54: {  	[sflag:s0] =	ssyncadd.s32 @!p0 s1  }
0x55: {  	[bflag:$0x3] =	sbarrier.arrive $0xFFFF  }
0x56: {  	_ =	shalt  }

</sc_bundles>
